<compile_context>
chip_gen: v7x
topology: tpu7x:2x2x1
jax: 0.10.2.dev20260603
libtpu: 0.0.44.dev20260713+nightly
codegen_flags: <defaults>
</compile_context>

<pallas_src>
import functools

import jax
import jax.numpy as jnp
from jax import lax
from jax.experimental import pallas as pl
from jax.experimental.pallas import tpu as pltpu
from jax.experimental.pallas import tpu_sc as plsc

N = 1
AN = 5
C = 64
H = 64
W = 64
PSH = 8
K = 6
PNH = H // PSH
P = AN * H
D = C * AN * PSH
NB = N * PNH
VPS = AN * PSH
PT = 64
Q = 8



def _dd_topk_body(xq_ref, lf_ref, g_ref):
    b = pl.program_id(0)
    xq = xq_ref[0]
    lf = lf_ref[0]
    g = jax.lax.dot_general(xq, lf, (((1,), (0,)), ((), ())),
                            preferred_element_type=jnp.float32)
    n = jnp.sum(lf * lf, axis=0)
    dd = (-2.0 * g + n[:, None]) + n[None, :]
    cols = jax.lax.broadcasted_iota(jnp.int32, (P, P), 1)
    work = dd
    base = b * P * K
    for k in range(K):
        m = jnp.min(work, axis=1, keepdims=True)
        sel = jnp.where(work == m, cols, jnp.int32(2**30))
        j = jnp.min(sel, axis=1)
        g_ref[0, :, k] = base + j * K + k
        work = jnp.where(cols == j[:, None], jnp.float32(jnp.inf), work)


def _dd_topk(xq, lf):
    return pl.pallas_call(
        _dd_topk_body,
        grid=(NB,),
        in_specs=[
            pl.BlockSpec((1, P, D), lambda b: (b, 0, 0)),
            pl.BlockSpec((1, D, P), lambda b: (b, 0, 0)),
        ],
        out_specs=pl.BlockSpec((1, P, K), lambda b: (b, 0, 0)),
        out_shape=jax.ShapeDtypeStruct((NB, P, K), jnp.int32),
    )(xq, lf)



def _table_body(lfc_ref, w1r_ref, t_ref):
    lfc = lfc_ref[0]
    w1r = w1r_ref[...]
    z = jax.lax.dot_general(w1r, lfc.reshape(C, PT * VPS), (((1,), (0,)), ((), ())),
                            preferred_element_type=jnp.float32)
    z4 = z.reshape(K, C, PT, VPS)
    t_ref[0] = jnp.transpose(z4, (2, 0, 1, 3))


def _build_table(lfc, w1r):
    return pl.pallas_call(
        _table_body,
        grid=(NB, P // PT),
        in_specs=[
            pl.BlockSpec((1, C, PT, VPS), lambda b, t: (b, 0, t, 0)),
            pl.BlockSpec((K * C, C), lambda b, t: (0, 0)),
        ],
        out_specs=pl.BlockSpec((1, PT, K, C, VPS), lambda b, t: (b, t, 0, 0, 0)),
        out_shape=jax.ShapeDtypeStruct((NB, P, K, C, VPS), jnp.float32),
    )(lfc, w1r)



DROW = C * VPS
NBP = NB * P
NWORK = 32
QPW = NBP // NWORK
NCHUNK = DROW // 16


def _sc_gather_sum(table, gq):
    mesh = plsc.VectorSubcoreMesh(core_axis_name="c", subcore_axis_name="s")

    @functools.partial(
        pl.kernel,
        mesh=mesh,
        compiler_params=pltpu.CompilerParams(use_tc_tiling_on_sc=False),
        out_type=jax.ShapeDtypeStruct((NBP, DROW), jnp.float32),
        scratch_types=[
            pltpu.VMEM((QPW, 8), jnp.int32),
            pltpu.VMEM((K, DROW), jnp.float32),
            pltpu.VMEM((K, DROW), jnp.float32),
            pltpu.VMEM((DROW,), jnp.float32),
            pltpu.VMEM((DROW,), jnp.float32),
            pltpu.SemaphoreType.DMA,
            pltpu.SemaphoreType.DMA,
            pltpu.SemaphoreType.DMA,
            pltpu.SemaphoreType.DMA,
        ],
    )
    def k(t_hbm, gq_hbm, out_hbm, idx_v, rows0, rows1, acc0, acc1,
          sg0, sg1, so0, so1):
        wid = lax.axis_index("s") * 2 + lax.axis_index("c")
        base = wid * QPW
        pltpu.sync_copy(gq_hbm.at[pl.ds(base, QPW)], idx_v)
        rows = (rows0, rows1)
        accs = (acc0, acc1)
        sgs = (sg0, sg1)
        sos = (so0, so1)

        def gather_copy(i, b):
            return pltpu.make_async_copy(
                t_hbm.at[idx_v.at[i, pl.ds(0, K)]], rows[b], sgs[b])

        gather_copy(0, 0).start()

        def pair(i2, carry):
            for b in (0, 1):
                i = 2 * i2 + b
                nb = 1 - b

                @pl.when(i + 1 < QPW)
                def _():
                    gather_copy(i + 1, nb).start()

                @pl.when(i >= 2)
                def _():
                    pltpu.make_async_copy(
                        accs[b], out_hbm.at[base + i - 2], sos[b]).wait()

                gather_copy(i, b).wait()
                rv = rows[b]
                av = accs[b]

                def chunk(j, _):
                    sl = pl.ds(j * 16, 16)
                    s01 = rv[0, sl] + rv[1, sl]
                    s23 = rv[2, sl] + rv[3, sl]
                    s45 = rv[4, sl] + rv[5, sl]
                    av[sl] = (s01 + s23) + s45
                    return 0

                lax.fori_loop(0, NCHUNK, chunk, 0)
                pltpu.make_async_copy(accs[b], out_hbm.at[base + i], sos[b]).start()
            return carry

        lax.fori_loop(0, QPW // 2, pair, 0)
        for b in (0, 1):
            pltpu.make_async_copy(
                accs[b], out_hbm.at[base + QPW - 2 + b], sos[b]).wait()

    return k(table, gq)



NCOL = AN * Q * W
QW = Q * W


def _conv_body(a1f_ref, lvf_ref, w2r_ref, out_ref, acc_ref):
    a1 = a1f_ref[0]
    a1 = jnp.where(a1 > 0, a1, 0.1 * a1)
    lv = lvf_ref[0]
    cat = jnp.concatenate([lv, a1], axis=0)
    acc_ref[...] = jnp.zeros((C, NCOL), dtype=jnp.float32)
    wmod = jax.lax.broadcasted_iota(jnp.int32, (C, NCOL), 1) & (W - 1)
    for ky in range(3):
        for kx in range(3):
            w2t = w2r_ref[ky, kx]
            d = jax.lax.dot_general(w2t, cat, (((1,), (0,)), ((), ())),
                                    preferred_element_type=jnp.float32)
            if kx == 0:
                d = jnp.where(wmod == W - 1, 0.0, d)
            elif kx == 2:
                d = jnp.where(wmod == 0, 0.0, d)
            off = (ky - 1) * QW + (kx - 1)
            dlo = QW if ky == 0 else 0
            dhi = NCOL - QW if ky == 2 else NCOL
            if kx == 0:
                dlo += 1
            elif kx == 2:
                dhi -= 1
            acc_ref[:, dlo:dhi] += d[:, dlo + off:dhi + off]
    a2 = acc_ref[...]
    a2 = jnp.where(a2 > 0, a2, 0.1 * a2)
    out_ref[...] = jnp.transpose(a2.reshape(C, AN, Q, W), (1, 0, 2, 3))


def _conv_tail(a1f, lvf, w2r):
    return pl.pallas_call(
        _conv_body,
        grid=(P // Q,),
        in_specs=[
            pl.BlockSpec((1, C, NCOL), lambda t: (t, 0, 0)),
            pl.BlockSpec((1, C, NCOL), lambda t: (t, 0, 0)),
            pl.BlockSpec((3, 3, C, 2 * C), lambda t: (0, 0, 0, 0)),
        ],
        out_specs=pl.BlockSpec((AN, C, Q, W), lambda t: (t // (H // Q), 0, t % (H // Q), 0)),
        out_shape=jax.ShapeDtypeStruct((N * AN * AN, C, H, W), jnp.float32),
        scratch_shapes=[pltpu.VMEM((C, NCOL), jnp.float32)],
    )(a1f, lvf, w2r)



def kernel(lf_fea, W1, W2):
    an2 = AN * AN
    x6 = lf_fea.reshape(N, AN, AN, C, H, W).transpose(0, 2, 1, 3, 5, 4) \
        .reshape(N, AN, AN, C, PNH, PSH, H)
    lf = x6.transpose(0, 4, 3, 1, 5, 2, 6).reshape(NB, D, P)
    xq = jnp.transpose(lf, (0, 2, 1))
    lfc = x6.transpose(0, 4, 3, 2, 6, 1, 5).reshape(NB, C, P, VPS)
    x7 = x6.reshape(N, AN, AN, C, PNH, PSH, H // Q, Q)
    lvf = x7.transpose(0, 2, 6, 3, 1, 7, 4, 5).reshape(P // Q, C, AN * Q * W)
    w1r = W1.reshape(C, K, C).transpose(1, 0, 2).reshape(K * C, C)
    w2r = W2.transpose(2, 3, 0, 1)

    g = _dd_topk(xq, lf)
    table = _build_table(lfc, w1r)

    rows = table.reshape(NB * P * K, C * VPS)
    gq = jnp.concatenate([g.reshape(NBP, K),
                          jnp.zeros((NBP, 8 - K), jnp.int32)], axis=1)
    a1pre = _sc_gather_sum(rows, gq).reshape(NB, P, C * VPS)
    a1f = a1pre.reshape(NB, P // Q, Q, C, AN, PSH).transpose(1, 3, 4, 2, 0, 5) \
        .reshape(P // Q, C, AN * Q * W)

    out = _conv_tail(a1f, lvf, w2r)
    return out

# --- scband reference (transcript-rebuilt; emitter-appended) ---
"""Pipeline reference for scband-selective-matching-hor-20280835572218 (READ-ONLY COPY).

The authoritative reference and input builder live on the scoring server;
editing this copy changes nothing except your own understanding.
"""

import jax, jax.numpy as jnp
import numpy as np

N = 1
AN = 5
C = 64
H = 64
W = 64
PSH = 8
K = 6
PNH = H // PSH

def _conv2d(x, w, padding):
    return jax.lax.conv_general_dilated(x, w, window_strides=(1, 1), padding=padding,
                                        dimension_numbers=('NCHW', 'OIHW', 'NCHW'))

def _lrelu(x):
    return jnp.where(x > 0, x, 0.1 * x)

def _forward(lf_fea, W1, W2):
    an2 = AN * AN
    # (N u v) c h w -> (N v u) c w h
    x = lf_fea.reshape(N, AN, AN, C, H, W).transpose(0, 2, 1, 3, 5, 4).reshape(N * an2, C, W, H)
    # (N u v) c h w -> (N v w) c u h  (on transposed tensor: h-dim = W, w-dim = H)
    t = x.reshape(N, AN, AN, C, W, H)
    lf_ver = t.transpose(0, 2, 5, 3, 1, 4).reshape(N * AN * H, C, AN, W)
    # (N u v) c (pnh psh) w -> (N pnh) (c u psh) (v w)
    t2 = x.reshape(N, AN, AN, C, PNH, PSH, H)
    lf = t2.transpose(0, 4, 3, 1, 5, 2, 6).reshape(N * PNH, C * AN * PSH, AN * H)
    # euclidean distance between all patch columns
    xq = jnp.transpose(lf, (0, 2, 1))
    dd = -2.0 * jnp.matmul(xq, lf)
    dd = dd + jnp.sum(xq ** 2, axis=-1, keepdims=True)
    dd = dd + jnp.sum(lf ** 2, axis=-2, keepdims=True)
    # k smallest distances (largest of -dd), sorted
    _, idx = jax.lax.top_k(-dd, K)
    B = N * PNH
    P = AN * H
    idx_flat = idx.reshape(B, 1, P * K)
    sel = jnp.take_along_axis(lf, idx_flat, axis=2)
    # (N pnh) (c u psh) (v w k) -> (N v w) (k c) u (pnh psh)
    s = sel.reshape(N, PNH, C, AN, PSH, AN, H, K)
    s = s.transpose(0, 5, 6, 7, 2, 3, 1, 4).reshape(N * AN * H, K * C, AN, PNH * PSH)
    a1 = _lrelu(_conv2d(s, W1, 'VALID'))
    cat = jnp.concatenate([lf_ver, a1], axis=1)
    a2 = _lrelu(_conv2d(cat, W2, ((1, 1), (1, 1))))
    # (N v w) c u h -> (N u v) c h w
    r = a2.reshape(N, AN, W, C, AN, W).transpose(0, 4, 1, 3, 5, 2).reshape(N * AN * AN, C, W, W)
    # (N u v) c h w -> (N v u) c w h
    out = r.reshape(N, AN, AN, C, W, W).transpose(0, 2, 1, 3, 5, 4).reshape(N * AN * AN, C, W, W)
    return out

def setup_inputs(seed: int = 0):
    key = jax.random.key(seed)
    k1, k2, k3 = jax.random.split(key, 3)
    lf_fea = jax.random.normal(k1, (N * AN * AN, C, H, W), dtype=jnp.float32)
    W1 = jax.random.normal(k2, (C, C * K, 1, 1), dtype=jnp.float32) * 0.05
    W2 = jax.random.normal(k3, (C, 2 * C, 3, 3), dtype=jnp.float32) * 0.05
    return {"lf_fea": lf_fea, "W1": W1, "W2": W2}

def reference(lf_fea, W1, W2):
    return _forward(lf_fea, W1, W2)

if __name__ == "__main__":
    import jax
    _d = setup_inputs()
    print(jax.jit(kernel)(*tuple(_d.values())))

</pallas_src>

<mosaic_0001>
#map = affine_map<(d0, d1) -> (0, 0)>
module attributes {stable_mosaic.version = 14 : i64} {
  func.func @k(%arg0: i32, %arg1: i32, %arg2: memref<15360x2560xf32, #tpu.memory_space<hbm>>, %arg3: memref<2560x8xi32, #tpu.memory_space<hbm>>, %arg4: memref<2560x2560xf32, #tpu.memory_space<hbm>>, %arg5: memref<80x8xi32, #tpu.memory_space<vmem>>, %arg6: memref<6x2560xf32, #tpu.memory_space<vmem>>, %arg7: memref<6x2560xf32, #tpu.memory_space<vmem>>, %arg8: memref<2560xf32, #tpu.memory_space<vmem>>, %arg9: memref<2560xf32, #tpu.memory_space<vmem>>, %arg10: memref<!tpu.dma_semaphore, #tpu.memory_space<semaphore_mem>>, %arg11: memref<!tpu.dma_semaphore, #tpu.memory_space<semaphore_mem>>, %arg12: memref<!tpu.dma_semaphore, #tpu.memory_space<semaphore_mem>>, %arg13: memref<!tpu.dma_semaphore, #tpu.memory_space<semaphore_mem>>) attributes {dimension_semantics = [#tpu.dimension_semantics<core_parallel>, #tpu.dimension_semantics<subcore_parallel>], iteration_bounds = array<i64: 2, 16>, scalar_prefetch = 0 : i64, scratch_operands = 9 : i64, tpu.core_type = #tpu.core_type<sc_vector_subcore>, window_params = [{transform_indices = #map}, {transform_indices = #map}, {transform_indices = #map}]} {
    %mul3A = arith.constant 2 : i32
    %mul3A_0 = arith.muli %arg1, %mul3A : i32
    %add3A = arith.addi %mul3A_0, %arg0 : i32
    %mul3A_1 = arith.constant 80 : i32
    %mul3A_2 = arith.muli %add3A, %mul3A_1 : i32
    "tpu.region"() ({
      %run_scoped3A = tpu.sem_alloc : memref<!tpu.dma_semaphore, #tpu.memory_space<semaphore_mem>>
      %dma_start3A_36 = arith.constant 0 : i32
      %dma_start3A_37 = tpu.memref_slice %arg3[%mul3A_2, %dma_start3A_36] : memref<2560x8xi32, #tpu.memory_space<hbm>> -> memref<80x8xi32, #tpu.memory_space<hbm>>
      %dma_start3A_38 = arith.constant 0 : i32
      %dma_start3A_39 = tpu.memref_slice %arg3[%mul3A_2, %dma_start3A_38] : memref<2560x8xi32, #tpu.memory_space<hbm>> -> memref<80x8xi32, #tpu.memory_space<hbm>>
      tpu.enqueue_dma source(%dma_start3A_39 : memref<80x8xi32, #tpu.memory_space<hbm>>) target(%arg5 : memref<80x8xi32, #tpu.memory_space<vmem>>) target_semaphore(%run_scoped3A : memref<!tpu.dma_semaphore, #tpu.memory_space<semaphore_mem>>)
      %dma_wait3A_40 = arith.constant 0 : i32
      %dma_wait3A_41 = tpu.memref_slice %arg3[%mul3A_2, %dma_wait3A_40] : memref<2560x8xi32, #tpu.memory_space<hbm>> -> memref<80x8xi32, #tpu.memory_space<hbm>>
      %dma_wait3A_42 = arith.constant 0 : i32
      %dma_wait3A_43 = tpu.memref_slice %arg3[%mul3A_2, %dma_wait3A_42] : memref<2560x8xi32, #tpu.memory_space<hbm>> -> memref<80x8xi32, #tpu.memory_space<hbm>>
      tpu.wait_dma2 semaphore(%run_scoped3A : memref<!tpu.dma_semaphore, #tpu.memory_space<semaphore_mem>>) src(%dma_wait3A_43 : memref<80x8xi32, #tpu.memory_space<hbm>>) dst(%arg5 : memref<80x8xi32, #tpu.memory_space<vmem>>)
      tpu.yield
    }) : () -> ()
    %dma_start3A = arith.constant 0 : i32
    %dma_start3A_3 = arith.constant 0 : i32
    %dma_start3A_4 = tpu.memref_slice %arg5[%dma_start3A, %dma_start3A_3] : memref<80x8xi32, #tpu.memory_space<vmem>> -> memref<1x6xi32, #tpu.memory_space<vmem>>
    %dma_start3A_5 = tpu.memref_squeeze %dma_start3A_4 : memref<1x6xi32, #tpu.memory_space<vmem>> -> memref<6xi32, #tpu.memory_space<vmem>>
    %dma_start3A_6 = arith.constant 0 : i32
    %dma_start3A_7 = arith.constant 0 : i32
    %dma_start3A_8 = tpu.memref_slice %arg2[%dma_start3A_6, %dma_start3A_7] : memref<15360x2560xf32, #tpu.memory_space<hbm>> -> memref<15360x2560xf32, #tpu.memory_space<hbm>>
    tpu.enqueue_indirect_dma source(%dma_start3A_8 : memref<15360x2560xf32, #tpu.memory_space<hbm>>) target(%arg6 : memref<6x2560xf32, #tpu.memory_space<vmem>>) offsets(%dma_start3A_5 : memref<6xi32, #tpu.memory_space<vmem>>) semaphore(%arg10 : memref<!tpu.dma_semaphore, #tpu.memory_space<semaphore_mem>>)
    %scan3A = arith.constant 0 : i32
    %scan3A_9 = arith.constant 0 : i32
    %scan3A_10 = arith.constant 40 : i32
    %scan3A_11 = arith.addi %scan3A_9, %scan3A_10 : i32
    %scan3A_12 = arith.constant 1 : i32
    scf.for %scan3A_36 = %scan3A_9 to %scan3A_11 step %scan3A_12  : i32 {
      %mul3A_37 = arith.constant 2 : i32
      %mul3A_38 = arith.muli %mul3A_37, %scan3A_36 : i32
      %add3A_39 = arith.constant 0 : i32
      %add3A_40 = arith.addi %mul3A_38, %add3A_39 : i32
      %add3A_41 = arith.constant 1 : i32
      %add3A_42 = arith.addi %add3A_40, %add3A_41 : i32
      %lt3A = arith.constant 80 : i32
      %lt3A_43 = arith.cmpi slt, %add3A_42, %lt3A : i32
      %convert_element_type3A = arith.extui %lt3A_43 : i1 to i32
      %cond3A = arith.constant 0 : i32
      %cond3A_44 = arith.cmpi ne, %convert_element_type3A, %cond3A : i32
      scf.if %cond3A_44 {
        %add3A_105 = arith.constant 1 : i32
        %add3A_106 = arith.addi %add3A_40, %add3A_105 : i32
        %dma_start3A_107 = arith.constant 0 : i32
        %dma_start3A_108 = tpu.memref_slice %arg5[%add3A_106, %dma_start3A_107] : memref<80x8xi32, #tpu.memory_space<vmem>> -> memref<1x6xi32, #tpu.memory_space<vmem>>
        %dma_start3A_109 = tpu.memref_squeeze %dma_start3A_108 : memref<1x6xi32, #tpu.memory_space<vmem>> -> memref<6xi32, #tpu.memory_space<vmem>>
        %dma_start3A_110 = arith.constant 0 : i32
        %dma_start3A_111 = arith.constant 0 : i32
        %dma_start3A_112 = tpu.memref_slice %arg2[%dma_start3A_110, %dma_start3A_111] : memref<15360x2560xf32, #tpu.memory_space<hbm>> -> memref<15360x2560xf32, #tpu.memory_space<hbm>>
        tpu.enqueue_indirect_dma source(%dma_start3A_112 : memref<15360x2560xf32, #tpu.memory_space<hbm>>) target(%arg7 : memref<6x2560xf32, #tpu.memory_space<vmem>>) offsets(%dma_start3A_109 : memref<6xi32, #tpu.memory_space<vmem>>) semaphore(%arg11 : memref<!tpu.dma_semaphore, #tpu.memory_space<semaphore_mem>>)
      } else {
      }
      %ge3A = arith.constant 2 : i32
      %ge3A_45 = arith.cmpi sge, %add3A_40, %ge3A : i32
      %convert_element_type3A_46 = arith.extui %ge3A_45 : i1 to i32
      %cond3A_47 = arith.constant 0 : i32
      %cond3A_48 = arith.cmpi ne, %convert_element_type3A_46, %cond3A_47 : i32
      scf.if %cond3A_48 {
        %add3A_105 = arith.addi %mul3A_2, %add3A_40 : i32
        %sub3A_106 = arith.constant 2 : i32
        %sub3A_107 = arith.subi %add3A_105, %sub3A_106 : i32
        %dma_wait3A_108 = arith.constant 0 : i32
        %dma_wait3A_109 = tpu.memref_slice %arg4[%sub3A_107, %dma_wait3A_108] : memref<2560x2560xf32, #tpu.memory_space<hbm>> -> memref<1x2560xf32, #tpu.memory_space<hbm>>
        %dma_wait3A_110 = tpu.memref_squeeze %dma_wait3A_109 : memref<1x2560xf32, #tpu.memory_space<hbm>> -> memref<2560xf32, #tpu.memory_space<hbm>>
        %dma_wait3A_111 = arith.constant 0 : i32
        %dma_wait3A_112 = tpu.memref_slice %arg4[%sub3A_107, %dma_wait3A_111] : memref<2560x2560xf32, #tpu.memory_space<hbm>> -> memref<1x2560xf32, #tpu.memory_space<hbm>>
        %dma_wait3A_113 = tpu.memref_squeeze %dma_wait3A_112 : memref<1x2560xf32, #tpu.memory_space<hbm>> -> memref<2560xf32, #tpu.memory_space<hbm>>
        tpu.wait_dma2 semaphore(%arg12 : memref<!tpu.dma_semaphore, #tpu.memory_space<semaphore_mem>>) src(%arg8 : memref<2560xf32, #tpu.memory_space<vmem>>) dst(%dma_wait3A_113 : memref<2560xf32, #tpu.memory_space<hbm>>)
      } else {
      }
      %dma_wait3A_49 = arith.constant 0 : i32
      %dma_wait3A_50 = tpu.memref_slice %arg5[%add3A_40, %dma_wait3A_49] : memref<80x8xi32, #tpu.memory_space<vmem>> -> memref<1x6xi32, #tpu.memory_space<vmem>>
      %dma_wait3A_51 = tpu.memref_squeeze %dma_wait3A_50 : memref<1x6xi32, #tpu.memory_space<vmem>> -> memref<6xi32, #tpu.memory_space<vmem>>
      %dma_wait3A_52 = arith.constant 0 : i32
      %dma_wait3A_53 = arith.constant 0 : i32
      %dma_wait3A_54 = tpu.memref_slice %arg2[%dma_wait3A_52, %dma_wait3A_53] : memref<15360x2560xf32, #tpu.memory_space<hbm>> -> memref<15360x2560xf32, #tpu.memory_space<hbm>>
      tpu.wait_indirect_dma semaphore(%arg10 : memref<!tpu.dma_semaphore, #tpu.memory_space<semaphore_mem>>) src(%dma_wait3A_54 : memref<15360x2560xf32, #tpu.memory_space<hbm>>) dst(%arg6 : memref<6x2560xf32, #tpu.memory_space<vmem>>)
      %scan3A_55 = arith.constant 0 : i32
      %scan3A_56 = arith.constant 0 : i32
      %scan3A_57 = arith.constant 160 : i32
      %scan3A_58 = arith.addi %scan3A_56, %scan3A_57 : i32
      %scan3A_59 = arith.constant 1 : i32
      %scan3A_60 = scf.for %scan3A_105 = %scan3A_56 to %scan3A_58 step %scan3A_59 iter_args(%scan3A_106 = %scan3A_55) -> (i32)  : i32 {
        %mul3A_107 = arith.constant 16 : i32
        %mul3A_108 = arith.muli %scan3A_105, %mul3A_107 : i32
        %get3A = arith.constant 0 : i32
        %get3A_109 = arith.index_cast %get3A : i32 to index
        %get3A_110 = arith.index_cast %mul3A_108 : i32 to index
        %get3A_111 = tpu.vector_load %arg6[%get3A_109, %get3A_110] {strides = array<i32>} : memref<6x2560xf32, #tpu.memory_space<vmem>>, vector<1x16xf32>,
        %get3A_112 = vector.shape_cast %get3A_111 : vector<1x16xf32> to vector<16xf32>
        %get3A_113 = arith.constant 1 : i32
        %get3A_114 = arith.index_cast %get3A_113 : i32 to index
        %get3A_115 = arith.index_cast %mul3A_108 : i32 to index
        %get3A_116 = tpu.vector_load %arg6[%get3A_114, %get3A_115] {strides = array<i32>} : memref<6x2560xf32, #tpu.memory_space<vmem>>, vector<1x16xf32>,
        %get3A_117 = vector.shape_cast %get3A_116 : vector<1x16xf32> to vector<16xf32>
        %add3A_118 = arith.addf %get3A_112, %get3A_117 : vector<16xf32>
        %get3A_119 = arith.constant 2 : i32
        %get3A_120 = arith.index_cast %get3A_119 : i32 to index
        %get3A_121 = arith.index_cast %mul3A_108 : i32 to index
        %get3A_122 = tpu.vector_load %arg6[%get3A_120, %get3A_121] {strides = array<i32>} : memref<6x2560xf32, #tpu.memory_space<vmem>>, vector<1x16xf32>,
        %get3A_123 = vector.shape_cast %get3A_122 : vector<1x16xf32> to vector<16xf32>
        %get3A_124 = arith.constant 3 : i32
        %get3A_125 = arith.index_cast %get3A_124 : i32 to index
        %get3A_126 = arith.index_cast %mul3A_108 : i32 to index
        %get3A_127 = tpu.vector_load %arg6[%get3A_125, %get3A_126] {strides = array<i32>} : memref<6x2560xf32, #tpu.memory_space<vmem>>, vector<1x16xf32>,
        %get3A_128 = vector.shape_cast %get3A_127 : vector<1x16xf32> to vector<16xf32>
        %add3A_129 = arith.addf %get3A_123, %get3A_128 : vector<16xf32>
        %get3A_130 = arith.constant 4 : i32
        %get3A_131 = arith.index_cast %get3A_130 : i32 to index
        %get3A_132 = arith.index_cast %mul3A_108 : i32 to index
        %get3A_133 = tpu.vector_load %arg6[%get3A_131, %get3A_132] {strides = array<i32>} : memref<6x2560xf32, #tpu.memory_space<vmem>>, vector<1x16xf32>,
        %get3A_134 = vector.shape_cast %get3A_133 : vector<1x16xf32> to vector<16xf32>
        %get3A_135 = arith.constant 5 : i32
        %get3A_136 = arith.index_cast %get3A_135 : i32 to index
        %get3A_137 = arith.index_cast %mul3A_108 : i32 to index
        %get3A_138 = tpu.vector_load %arg6[%get3A_136, %get3A_137] {strides = array<i32>} : memref<6x2560xf32, #tpu.memory_space<vmem>>, vector<1x16xf32>,
        %get3A_139 = vector.shape_cast %get3A_138 : vector<1x16xf32> to vector<16xf32>
        %add3A_140 = arith.addf %get3A_134, %get3A_139 : vector<16xf32>
        %add3A_141 = arith.addf %add3A_118, %add3A_129 : vector<16xf32>
        %add3A_142 = arith.addf %add3A_141, %add3A_140 : vector<16xf32>
        %swap3A = arith.index_cast %mul3A_108 : i32 to index
        %swap3A_143 = tpu.vector_load %arg8[%swap3A] {strides = array<i32>} : memref<2560xf32, #tpu.memory_space<vmem>>, vector<16xf32>,
        %swap3A_144 = vector.shape_cast %swap3A_143 : vector<16xf32> to vector<16xf32>
        %swap3A_145 = vector.shape_cast %add3A_142 : vector<16xf32> to vector<16xf32>
        tpu.vector_store %arg8[%swap3A], %swap3A_145 {strides = array<i32>} : memref<2560xf32, #tpu.memory_space<vmem>>, vector<16xf32>,
        %scan3A_146 = arith.constant 0 : i32
        scf.yield %scan3A_146 : i32
      }
      %scan3A_61 = arith.constant 160 : i32
      %add3A_62 = arith.addi %mul3A_2, %add3A_40 : i32
      %dma_start3A_63 = arith.constant 0 : i32
      %dma_start3A_64 = tpu.memref_slice %arg4[%add3A_62, %dma_start3A_63] : memref<2560x2560xf32, #tpu.memory_space<hbm>> -> memref<1x2560xf32, #tpu.memory_space<hbm>>
      %dma_start3A_65 = tpu.memref_squeeze %dma_start3A_64 : memref<1x2560xf32, #tpu.memory_space<hbm>> -> memref<2560xf32, #tpu.memory_space<hbm>>
      %dma_start3A_66 = arith.constant 0 : i32
      %dma_start3A_67 = tpu.memref_slice %arg4[%add3A_62, %dma_start3A_66] : memref<2560x2560xf32, #tpu.memory_space<hbm>> -> memref<1x2560xf32, #tpu.memory_space<hbm>>
      %dma_start3A_68 = tpu.memref_squeeze %dma_start3A_67 : memref<1x2560xf32, #tpu.memory_space<hbm>> -> memref<2560xf32, #tpu.memory_space<hbm>>
      tpu.enqueue_dma source(%arg8 : memref<2560xf32, #tpu.memory_space<vmem>>) target(%dma_start3A_68 : memref<2560xf32, #tpu.memory_space<hbm>>) target_semaphore(%arg12 : memref<!tpu.dma_semaphore, #tpu.memory_space<semaphore_mem>>)
      %mul3A_69 = arith.constant 2 : i32
      %mul3A_70 = arith.muli %mul3A_69, %scan3A_36 : i32
      %add3A_71 = arith.constant 1 : i32
      %add3A_72 = arith.addi %mul3A_70, %add3A_71 : i32
      %add3A_73 = arith.constant 1 : i32
      %add3A_74 = arith.addi %add3A_72, %add3A_73 : i32
      %lt3A_75 = arith.constant 80 : i32
      %lt3A_76 = arith.cmpi slt, %add3A_74, %lt3A_75 : i32
      %convert_element_type3A_77 = arith.extui %lt3A_76 : i1 to i32
      %cond3A_78 = arith.constant 0 : i32
      %cond3A_79 = arith.cmpi ne, %convert_element_type3A_77, %cond3A_78 : i32
      scf.if %cond3A_79 {
        %add3A_105 = arith.constant 1 : i32
        %add3A_106 = arith.addi %add3A_72, %add3A_105 : i32
        %dma_start3A_107 = arith.constant 0 : i32
        %dma_start3A_108 = tpu.memref_slice %arg5[%add3A_106, %dma_start3A_107] : memref<80x8xi32, #tpu.memory_space<vmem>> -> memref<1x6xi32, #tpu.memory_space<vmem>>
        %dma_start3A_109 = tpu.memref_squeeze %dma_start3A_108 : memref<1x6xi32, #tpu.memory_space<vmem>> -> memref<6xi32, #tpu.memory_space<vmem>>
        %dma_start3A_110 = arith.constant 0 : i32
        %dma_start3A_111 = arith.constant 0 : i32
        %dma_start3A_112 = tpu.memref_slice %arg2[%dma_start3A_110, %dma_start3A_111] : memref<15360x2560xf32, #tpu.memory_space<hbm>> -> memref<15360x2560xf32, #tpu.memory_space<hbm>>
        tpu.enqueue_indirect_dma source(%dma_start3A_112 : memref<15360x2560xf32, #tpu.memory_space<hbm>>) target(%arg6 : memref<6x2560xf32, #tpu.memory_space<vmem>>) offsets(%dma_start3A_109 : memref<6xi32, #tpu.memory_space<vmem>>) semaphore(%arg10 : memref<!tpu.dma_semaphore, #tpu.memory_space<semaphore_mem>>)
      } else {
      }
      %ge3A_80 = arith.constant 2 : i32
      %ge3A_81 = arith.cmpi sge, %add3A_72, %ge3A_80 : i32
      %convert_element_type3A_82 = arith.extui %ge3A_81 : i1 to i32
      %cond3A_83 = arith.constant 0 : i32
      %cond3A_84 = arith.cmpi ne, %convert_element_type3A_82, %cond3A_83 : i32
      scf.if %cond3A_84 {
        %add3A_105 = arith.addi %mul3A_2, %add3A_72 : i32
        %sub3A_106 = arith.constant 2 : i32
        %sub3A_107 = arith.subi %add3A_105, %sub3A_106 : i32
        %dma_wait3A_108 = arith.constant 0 : i32
        %dma_wait3A_109 = tpu.memref_slice %arg4[%sub3A_107, %dma_wait3A_108] : memref<2560x2560xf32, #tpu.memory_space<hbm>> -> memref<1x2560xf32, #tpu.memory_space<hbm>>
        %dma_wait3A_110 = tpu.memref_squeeze %dma_wait3A_109 : memref<1x2560xf32, #tpu.memory_space<hbm>> -> memref<2560xf32, #tpu.memory_space<hbm>>
        %dma_wait3A_111 = arith.constant 0 : i32
        %dma_wait3A_112 = tpu.memref_slice %arg4[%sub3A_107, %dma_wait3A_111] : memref<2560x2560xf32, #tpu.memory_space<hbm>> -> memref<1x2560xf32, #tpu.memory_space<hbm>>
        %dma_wait3A_113 = tpu.memref_squeeze %dma_wait3A_112 : memref<1x2560xf32, #tpu.memory_space<hbm>> -> memref<2560xf32, #tpu.memory_space<hbm>>
        tpu.wait_dma2 semaphore(%arg13 : memref<!tpu.dma_semaphore, #tpu.memory_space<semaphore_mem>>) src(%arg9 : memref<2560xf32, #tpu.memory_space<vmem>>) dst(%dma_wait3A_113 : memref<2560xf32, #tpu.memory_space<hbm>>)
      } else {
      }
      %dma_wait3A_85 = arith.constant 0 : i32
      %dma_wait3A_86 = tpu.memref_slice %arg5[%add3A_72, %dma_wait3A_85] : memref<80x8xi32, #tpu.memory_space<vmem>> -> memref<1x6xi32, #tpu.memory_space<vmem>>
      %dma_wait3A_87 = tpu.memref_squeeze %dma_wait3A_86 : memref<1x6xi32, #tpu.memory_space<vmem>> -> memref<6xi32, #tpu.memory_space<vmem>>
      %dma_wait3A_88 = arith.constant 0 : i32
      %dma_wait3A_89 = arith.constant 0 : i32
      %dma_wait3A_90 = tpu.memref_slice %arg2[%dma_wait3A_88, %dma_wait3A_89] : memref<15360x2560xf32, #tpu.memory_space<hbm>> -> memref<15360x2560xf32, #tpu.memory_space<hbm>>
      tpu.wait_indirect_dma semaphore(%arg11 : memref<!tpu.dma_semaphore, #tpu.memory_space<semaphore_mem>>) src(%dma_wait3A_90 : memref<15360x2560xf32, #tpu.memory_space<hbm>>) dst(%arg7 : memref<6x2560xf32, #tpu.memory_space<vmem>>)
      %scan3A_91 = arith.constant 0 : i32
      %scan3A_92 = arith.constant 0 : i32
      %scan3A_93 = arith.constant 160 : i32
      %scan3A_94 = arith.addi %scan3A_92, %scan3A_93 : i32
      %scan3A_95 = arith.constant 1 : i32
      %scan3A_96 = scf.for %scan3A_105 = %scan3A_92 to %scan3A_94 step %scan3A_95 iter_args(%scan3A_106 = %scan3A_91) -> (i32)  : i32 {
        %mul3A_107 = arith.constant 16 : i32
        %mul3A_108 = arith.muli %scan3A_105, %mul3A_107 : i32
        %get3A = arith.constant 0 : i32
        %get3A_109 = arith.index_cast %get3A : i32 to index
        %get3A_110 = arith.index_cast %mul3A_108 : i32 to index
        %get3A_111 = tpu.vector_load %arg7[%get3A_109, %get3A_110] {strides = array<i32>} : memref<6x2560xf32, #tpu.memory_space<vmem>>, vector<1x16xf32>,
        %get3A_112 = vector.shape_cast %get3A_111 : vector<1x16xf32> to vector<16xf32>
        %get3A_113 = arith.constant 1 : i32
        %get3A_114 = arith.index_cast %get3A_113 : i32 to index
        %get3A_115 = arith.index_cast %mul3A_108 : i32 to index
        %get3A_116 = tpu.vector_load %arg7[%get3A_114, %get3A_115] {strides = array<i32>} : memref<6x2560xf32, #tpu.memory_space<vmem>>, vector<1x16xf32>,
        %get3A_117 = vector.shape_cast %get3A_116 : vector<1x16xf32> to vector<16xf32>
        %add3A_118 = arith.addf %get3A_112, %get3A_117 : vector<16xf32>
        %get3A_119 = arith.constant 2 : i32
        %get3A_120 = arith.index_cast %get3A_119 : i32 to index
        %get3A_121 = arith.index_cast %mul3A_108 : i32 to index
        %get3A_122 = tpu.vector_load %arg7[%get3A_120, %get3A_121] {strides = array<i32>} : memref<6x2560xf32, #tpu.memory_space<vmem>>, vector<1x16xf32>,
        %get3A_123 = vector.shape_cast %get3A_122 : vector<1x16xf32> to vector<16xf32>
        %get3A_124 = arith.constant 3 : i32
        %get3A_125 = arith.index_cast %get3A_124 : i32 to index
        %get3A_126 = arith.index_cast %mul3A_108 : i32 to index
        %get3A_127 = tpu.vector_load %arg7[%get3A_125, %get3A_126] {strides = array<i32>} : memref<6x2560xf32, #tpu.memory_space<vmem>>, vector<1x16xf32>,
        %get3A_128 = vector.shape_cast %get3A_127 : vector<1x16xf32> to vector<16xf32>
        %add3A_129 = arith.addf %get3A_123, %get3A_128 : vector<16xf32>
        %get3A_130 = arith.constant 4 : i32
        %get3A_131 = arith.index_cast %get3A_130 : i32 to index
        %get3A_132 = arith.index_cast %mul3A_108 : i32 to index
        %get3A_133 = tpu.vector_load %arg7[%get3A_131, %get3A_132] {strides = array<i32>} : memref<6x2560xf32, #tpu.memory_space<vmem>>, vector<1x16xf32>,
        %get3A_134 = vector.shape_cast %get3A_133 : vector<1x16xf32> to vector<16xf32>
        %get3A_135 = arith.constant 5 : i32
        %get3A_136 = arith.index_cast %get3A_135 : i32 to index
        %get3A_137 = arith.index_cast %mul3A_108 : i32 to index
        %get3A_138 = tpu.vector_load %arg7[%get3A_136, %get3A_137] {strides = array<i32>} : memref<6x2560xf32, #tpu.memory_space<vmem>>, vector<1x16xf32>,
        %get3A_139 = vector.shape_cast %get3A_138 : vector<1x16xf32> to vector<16xf32>
        %add3A_140 = arith.addf %get3A_134, %get3A_139 : vector<16xf32>
        %add3A_141 = arith.addf %add3A_118, %add3A_129 : vector<16xf32>
        %add3A_142 = arith.addf %add3A_141, %add3A_140 : vector<16xf32>
        %swap3A = arith.index_cast %mul3A_108 : i32 to index
        %swap3A_143 = tpu.vector_load %arg9[%swap3A] {strides = array<i32>} : memref<2560xf32, #tpu.memory_space<vmem>>, vector<16xf32>,
        %swap3A_144 = vector.shape_cast %swap3A_143 : vector<16xf32> to vector<16xf32>
        %swap3A_145 = vector.shape_cast %add3A_142 : vector<16xf32> to vector<16xf32>
        tpu.vector_store %arg9[%swap3A], %swap3A_145 {strides = array<i32>} : memref<2560xf32, #tpu.memory_space<vmem>>, vector<16xf32>,
        %scan3A_146 = arith.constant 0 : i32
        scf.yield %scan3A_146 : i32
      }
      %scan3A_97 = arith.constant 160 : i32
      %add3A_98 = arith.addi %mul3A_2, %add3A_72 : i32
      %dma_start3A_99 = arith.constant 0 : i32
      %dma_start3A_100 = tpu.memref_slice %arg4[%add3A_98, %dma_start3A_99] : memref<2560x2560xf32, #tpu.memory_space<hbm>> -> memref<1x2560xf32, #tpu.memory_space<hbm>>
      %dma_start3A_101 = tpu.memref_squeeze %dma_start3A_100 : memref<1x2560xf32, #tpu.memory_space<hbm>> -> memref<2560xf32, #tpu.memory_space<hbm>>
      %dma_start3A_102 = arith.constant 0 : i32
      %dma_start3A_103 = tpu.memref_slice %arg4[%add3A_98, %dma_start3A_102] : memref<2560x2560xf32, #tpu.memory_space<hbm>> -> memref<1x2560xf32, #tpu.memory_space<hbm>>
      %dma_start3A_104 = tpu.memref_squeeze %dma_start3A_103 : memref<1x2560xf32, #tpu.memory_space<hbm>> -> memref<2560xf32, #tpu.memory_space<hbm>>
      tpu.enqueue_dma source(%arg9 : memref<2560xf32, #tpu.memory_space<vmem>>) target(%dma_start3A_104 : memref<2560xf32, #tpu.memory_space<hbm>>) target_semaphore(%arg13 : memref<!tpu.dma_semaphore, #tpu.memory_space<semaphore_mem>>)
    }
    %scan3A_13 = arith.constant 40 : i32
    %add3A_14 = arith.constant 80 : i32
    %add3A_15 = arith.addi %mul3A_2, %add3A_14 : i32
    %sub3A = arith.constant 2 : i32
    %sub3A_16 = arith.subi %add3A_15, %sub3A : i32
    %add3A_17 = arith.constant 0 : i32
    %add3A_18 = arith.addi %sub3A_16, %add3A_17 : i32
    %dma_wait3A = arith.constant 0 : i32
    %dma_wait3A_19 = tpu.memref_slice %arg4[%add3A_18, %dma_wait3A] : memref<2560x2560xf32, #tpu.memory_space<hbm>> -> memref<1x2560xf32, #tpu.memory_space<hbm>>
    %dma_wait3A_20 = tpu.memref_squeeze %dma_wait3A_19 : memref<1x2560xf32, #tpu.memory_space<hbm>> -> memref<2560xf32, #tpu.memory_space<hbm>>
    %dma_wait3A_21 = arith.constant 0 : i32
    %dma_wait3A_22 = tpu.memref_slice %arg4[%add3A_18, %dma_wait3A_21] : memref<2560x2560xf32, #tpu.memory_space<hbm>> -> memref<1x2560xf32, #tpu.memory_space<hbm>>
    %dma_wait3A_23 = tpu.memref_squeeze %dma_wait3A_22 : memref<1x2560xf32, #tpu.memory_space<hbm>> -> memref<2560xf32, #tpu.memory_space<hbm>>
    tpu.wait_dma2 semaphore(%arg12 : memref<!tpu.dma_semaphore, #tpu.memory_space<semaphore_mem>>) src(%arg8 : memref<2560xf32, #tpu.memory_space<vmem>>) dst(%dma_wait3A_23 : memref<2560xf32, #tpu.memory_space<hbm>>)
    %add3A_24 = arith.constant 80 : i32
    %add3A_25 = arith.addi %mul3A_2, %add3A_24 : i32
    %sub3A_26 = arith.constant 2 : i32
    %sub3A_27 = arith.subi %add3A_25, %sub3A_26 : i32
    %add3A_28 = arith.constant 1 : i32
    %add3A_29 = arith.addi %sub3A_27, %add3A_28 : i32
    %dma_wait3A_30 = arith.constant 0 : i32
    %dma_wait3A_31 = tpu.memref_slice %arg4[%add3A_29, %dma_wait3A_30] : memref<2560x2560xf32, #tpu.memory_space<hbm>> -> memref<1x2560xf32, #tpu.memory_space<hbm>>
    %dma_wait3A_32 = tpu.memref_squeeze %dma_wait3A_31 : memref<1x2560xf32, #tpu.memory_space<hbm>> -> memref<2560xf32, #tpu.memory_space<hbm>>
    %dma_wait3A_33 = arith.constant 0 : i32
    %dma_wait3A_34 = tpu.memref_slice %arg4[%add3A_29, %dma_wait3A_33] : memref<2560x2560xf32, #tpu.memory_space<hbm>> -> memref<1x2560xf32, #tpu.memory_space<hbm>>
    %dma_wait3A_35 = tpu.memref_squeeze %dma_wait3A_34 : memref<1x2560xf32, #tpu.memory_space<hbm>> -> memref<2560xf32, #tpu.memory_space<hbm>>
    tpu.wait_dma2 semaphore(%arg13 : memref<!tpu.dma_semaphore, #tpu.memory_space<semaphore_mem>>) src(%arg9 : memref<2560xf32, #tpu.memory_space<vmem>>) dst(%dma_wait3A_35 : memref<2560xf32, #tpu.memory_space<hbm>>)
    return
  }
}

module attributes {stable_mosaic.version = 14 : i64} {
  func.func @_dd_topk_body(%arg0: i32, %arg1: memref<1x320x2560xf32, #tpu.memory_space<vmem>>, %arg2: memref<1x2560x320xf32, #tpu.memory_space<vmem>>, %arg3: memref<1x320x6xi32, #tpu.memory_space<vmem>>) attributes {dimension_semantics = [#tpu.dimension_semantics<arbitrary>], iteration_bounds = array<i64: 8>, scalar_prefetch = 0 : i64, scratch_operands = 0 : i64, tpu.core_type = #tpu.core_type<tc>, window_params = [{transform_indices = @transform_0, window_bounds = array<i64: 1, 320, 2560>}, {transform_indices = @transform_1, window_bounds = array<i64: 1, 2560, 320>}, {transform_indices = @transform_2, window_bounds = array<i64: 1, 320, 6>}]} {
    %get3A = arith.constant 0 : index
    %get3A_0 = arith.constant 0 : index
    %get3A_1 = arith.constant 0 : index
    %get3A_2 = vector.load %arg1[%get3A, %get3A_0, %get3A_1] : memref<1x320x2560xf32, #tpu.memory_space<vmem>>, vector<1x320x2560xf32>
    %get3A_3 = vector.shape_cast %get3A_2 : vector<1x320x2560xf32> to vector<320x2560xf32>
    %get3A_4 = arith.constant 0 : index
    %get3A_5 = arith.constant 0 : index
    %get3A_6 = arith.constant 0 : index
    %get3A_7 = vector.load %arg2[%get3A_4, %get3A_5, %get3A_6] : memref<1x2560x320xf32, #tpu.memory_space<vmem>>, vector<1x2560x320xf32>
    %get3A_8 = vector.shape_cast %get3A_7 : vector<1x2560x320xf32> to vector<2560x320xf32>
    %dot_general3A = arith.constant dense<0.000000e+00> : vector<320x320xf32>
    %dot_general3A_9 = tpu.matmul %get3A_3, %get3A_8, %dot_general3A {dimension_numbers = #tpu.dot_dimension_numbers<[1], [0], [0], [1], [0, 0, 1, 1], [], []>, transpose_lhs_hint = false} : vector<320x2560xf32>, vector<2560x320xf32>, vector<320x320xf32> -> vector<320x320xf32>
    %mul3A = arith.mulf %get3A_8, %get3A_8 : vector<2560x320xf32>
    %reduce_sum3A = arith.constant dense<0.000000e+00> : vector<320xf32>
    %reduce_sum3A_10 = vector.multi_reduction <add>, %mul3A, %reduce_sum3A [0] : vector<2560x320xf32> to vector<320xf32>
    %mul3A_11 = arith.constant -2.000000e+00 : f32
    %mul3A_12 = vector.broadcast %mul3A_11 : f32 to vector<320x320xf32>
    %mul3A_13 = arith.mulf %mul3A_12, %dot_general3A_9 : vector<320x320xf32>
    %broadcast_in_dim3A = vector.shape_cast %reduce_sum3A_10 : vector<320xf32> to vector<320x1xf32>
    %add3A = vector.broadcast %broadcast_in_dim3A : vector<320x1xf32> to vector<320x320xf32>
    %add3A_14 = arith.addf %mul3A_13, %add3A : vector<320x320xf32>
    %broadcast_in_dim3A_15 = vector.shape_cast %reduce_sum3A_10 : vector<320xf32> to vector<1x320xf32>
    %add3A_16 = vector.broadcast %broadcast_in_dim3A_15 : vector<1x320xf32> to vector<320x320xf32>
    %add3A_17 = arith.addf %add3A_14, %add3A_16 : vector<320x320xf32>
    %iota3A = tpu.iota {dimensions = array<i32: 1>} : vector<320x320xi32>
    %mul3A_18 = arith.constant 320 : i32
    %mul3A_19 = arith.muli %arg0, %mul3A_18 : i32
    %mul3A_20 = arith.constant 6 : i32
    %mul3A_21 = arith.muli %mul3A_19, %mul3A_20 : i32
    %reduce_min3A = arith.constant dense<0x7F800000> : vector<320xf32>
    %reduce_min3A_22 = vector.multi_reduction <minimumf>, %add3A_17, %reduce_min3A [1] : vector<320x320xf32> to vector<320xf32>
    %broadcast_in_dim3A_23 = vector.shape_cast %reduce_min3A_22 : vector<320xf32> to vector<320x1xf32>
    %eq3A = vector.broadcast %broadcast_in_dim3A_23 : vector<320x1xf32> to vector<320x320xf32>
    %eq3A_24 = arith.cmpf oeq, %add3A_17, %eq3A : vector<320x320xf32>
    %jit3A = arith.constant 1073741824 : i32
    %broadcast_in_dim3A_25 = vector.broadcast %jit3A : i32 to vector<320x320xi32>
    %select_n3A = arith.select %eq3A_24, %iota3A, %broadcast_in_dim3A_25 : vector<320x320xi1>, vector<320x320xi32>
    %reduce_min3A_26 = arith.constant dense<2147483647> : vector<320xi32>
    %reduce_min3A_27 = vector.multi_reduction <minsi>, %select_n3A, %reduce_min3A_26 [1] : vector<320x320xi32> to vector<320xi32>
    %mul3A_28 = arith.constant 6 : i32
    %mul3A_29 = vector.broadcast %mul3A_28 : i32 to vector<320xi32>
    %mul3A_30 = arith.muli %reduce_min3A_27, %mul3A_29 : vector<320xi32>
    %add3A_31 = vector.broadcast %mul3A_21 : i32 to vector<320xi32>
    %add3A_32 = arith.addi %add3A_31, %mul3A_30 : vector<320xi32>
    %add3A_33 = arith.constant 0 : i32
    %add3A_34 = vector.broadcast %add3A_33 : i32 to vector<320xi32>
    %add3A_35 = arith.addi %add3A_32, %add3A_34 : vector<320xi32>
    %swap3A = arith.constant 0 : index
    %swap3A_36 = arith.constant 0 : index
    %swap3A_37 = arith.constant 0 : index
    %swap3A_38 = vector.load %arg3[%swap3A, %swap3A_36, %swap3A_37] : memref<1x320x6xi32, #tpu.memory_space<vmem>>, vector<1x320x1xi32>
    %swap3A_39 = vector.shape_cast %swap3A_38 : vector<1x320x1xi32> to vector<320xi32>
    %swap3A_40 = vector.shape_cast %add3A_35 : vector<320xi32> to vector<1x320x1xi32>
    tpu.vector_store %arg3[%swap3A, %swap3A_36, %swap3A_37], %swap3A_40 {strides = array<i32>} : memref<1x320x6xi32, #tpu.memory_space<vmem>>, vector<1x320x1xi32>,
    %broadcast_in_dim3A_41 = vector.shape_cast %reduce_min3A_27 : vector<320xi32> to vector<320x1xi32>
    %eq3A_42 = vector.broadcast %broadcast_in_dim3A_41 : vector<320x1xi32> to vector<320x320xi32>
    %eq3A_43 = arith.cmpi eq, %iota3A, %eq3A_42 : vector<320x320xi32>
    %jit3A_44 = arith.constant 0x7F800000 : f32
    %broadcast_in_dim3A_45 = vector.broadcast %jit3A_44 : f32 to vector<320x320xf32>
    %select_n3A_46 = arith.select %eq3A_43, %broadcast_in_dim3A_45, %add3A_17 : vector<320x320xi1>, vector<320x320xf32>
    %reduce_min3A_47 = arith.constant dense<0x7F800000> : vector<320xf32>
    %reduce_min3A_48 = vector.multi_reduction <minimumf>, %select_n3A_46, %reduce_min3A_47 [1] : vector<320x320xf32> to vector<320xf32>
    %broadcast_in_dim3A_49 = vector.shape_cast %reduce_min3A_48 : vector<320xf32> to vector<320x1xf32>
    %eq3A_50 = vector.broadcast %broadcast_in_dim3A_49 : vector<320x1xf32> to vector<320x320xf32>
    %eq3A_51 = arith.cmpf oeq, %select_n3A_46, %eq3A_50 : vector<320x320xf32>
    %jit3A_52 = arith.constant 1073741824 : i32
    %broadcast_in_dim3A_53 = vector.broadcast %jit3A_52 : i32 to vector<320x320xi32>
    %select_n3A_54 = arith.select %eq3A_51, %iota3A, %broadcast_in_dim3A_53 : vector<320x320xi1>, vector<320x320xi32>
    %reduce_min3A_55 = arith.constant dense<2147483647> : vector<320xi32>
    %reduce_min3A_56 = vector.multi_reduction <minsi>, %select_n3A_54, %reduce_min3A_55 [1] : vector<320x320xi32> to vector<320xi32>
    %mul3A_57 = arith.constant 6 : i32
    %mul3A_58 = vector.broadcast %mul3A_57 : i32 to vector<320xi32>
    %mul3A_59 = arith.muli %reduce_min3A_56, %mul3A_58 : vector<320xi32>
    %add3A_60 = vector.broadcast %mul3A_21 : i32 to vector<320xi32>
    %add3A_61 = arith.addi %add3A_60, %mul3A_59 : vector<320xi32>
    %add3A_62 = arith.constant 1 : i32
    %add3A_63 = vector.broadcast %add3A_62 : i32 to vector<320xi32>
    %add3A_64 = arith.addi %add3A_61, %add3A_63 : vector<320xi32>
    %swap3A_65 = arith.constant 0 : index
    %swap3A_66 = arith.constant 0 : index
    %swap3A_67 = arith.constant 1 : index
    %swap3A_68 = vector.load %arg3[%swap3A_65, %swap3A_66, %swap3A_67] : memref<1x320x6xi32, #tpu.memory_space<vmem>>, vector<1x320x1xi32>
    %swap3A_69 = vector.shape_cast %swap3A_68 : vector<1x320x1xi32> to vector<320xi32>
    %swap3A_70 = vector.shape_cast %add3A_64 : vector<320xi32> to vector<1x320x1xi32>
    tpu.vector_store %arg3[%swap3A_65, %swap3A_66, %swap3A_67], %swap3A_70 {strides = array<i32>} : memref<1x320x6xi32, #tpu.memory_space<vmem>>, vector<1x320x1xi32>,
    %broadcast_in_dim3A_71 = vector.shape_cast %reduce_min3A_56 : vector<320xi32> to vector<320x1xi32>
    %eq3A_72 = vector.broadcast %broadcast_in_dim3A_71 : vector<320x1xi32> to vector<320x320xi32>
    %eq3A_73 = arith.cmpi eq, %iota3A, %eq3A_72 : vector<320x320xi32>
    %jit3A_74 = arith.constant 0x7F800000 : f32
    %broadcast_in_dim3A_75 = vector.broadcast %jit3A_74 : f32 to vector<320x320xf32>
    %select_n3A_76 = arith.select %eq3A_73, %broadcast_in_dim3A_75, %select_n3A_46 : vector<320x320xi1>, vector<320x320xf32>
    %reduce_min3A_77 = arith.constant dense<0x7F800000> : vector<320xf32>
    %reduce_min3A_78 = vector.multi_reduction <minimumf>, %select_n3A_76, %reduce_min3A_77 [1] : vector<320x320xf32> to vector<320xf32>
    %broadcast_in_dim3A_79 = vector.shape_cast %reduce_min3A_78 : vector<320xf32> to vector<320x1xf32>
    %eq3A_80 = vector.broadcast %broadcast_in_dim3A_79 : vector<320x1xf32> to vector<320x320xf32>
    %eq3A_81 = arith.cmpf oeq, %select_n3A_76, %eq3A_80 : vector<320x320xf32>
    %jit3A_82 = arith.constant 1073741824 : i32
    %broadcast_in_dim3A_83 = vector.broadcast %jit3A_82 : i32 to vector<320x320xi32>
    %select_n3A_84 = arith.select %eq3A_81, %iota3A, %broadcast_in_dim3A_83 : vector<320x320xi1>, vector<320x320xi32>
    %reduce_min3A_85 = arith.constant dense<2147483647> : vector<320xi32>
    %reduce_min3A_86 = vector.multi_reduction <minsi>, %select_n3A_84, %reduce_min3A_85 [1] : vector<320x320xi32> to vector<320xi32>
    %mul3A_87 = arith.constant 6 : i32
    %mul3A_88 = vector.broadcast %mul3A_87 : i32 to vector<320xi32>
    %mul3A_89 = arith.muli %reduce_min3A_86, %mul3A_88 : vector<320xi32>
    %add3A_90 = vector.broadcast %mul3A_21 : i32 to vector<320xi32>
    %add3A_91 = arith.addi %add3A_90, %mul3A_89 : vector<320xi32>
    %add3A_92 = arith.constant 2 : i32
    %add3A_93 = vector.broadcast %add3A_92 : i32 to vector<320xi32>
    %add3A_94 = arith.addi %add3A_91, %add3A_93 : vector<320xi32>
    %swap3A_95 = arith.constant 0 : index
    %swap3A_96 = arith.constant 0 : index
    %swap3A_97 = arith.constant 2 : index
    %swap3A_98 = vector.load %arg3[%swap3A_95, %swap3A_96, %swap3A_97] : memref<1x320x6xi32, #tpu.memory_space<vmem>>, vector<1x320x1xi32>
    %swap3A_99 = vector.shape_cast %swap3A_98 : vector<1x320x1xi32> to vector<320xi32>
    %swap3A_100 = vector.shape_cast %add3A_94 : vector<320xi32> to vector<1x320x1xi32>
    tpu.vector_store %arg3[%swap3A_95, %swap3A_96, %swap3A_97], %swap3A_100 {strides = array<i32>} : memref<1x320x6xi32, #tpu.memory_space<vmem>>, vector<1x320x1xi32>,
    %broadcast_in_dim3A_101 = vector.shape_cast %reduce_min3A_86 : vector<320xi32> to vector<320x1xi32>
    %eq3A_102 = vector.broadcast %broadcast_in_dim3A_101 : vector<320x1xi32> to vector<320x320xi32>
    %eq3A_103 = arith.cmpi eq, %iota3A, %eq3A_102 : vector<320x320xi32>
    %jit3A_104 = arith.constant 0x7F800000 : f32
    %broadcast_in_dim3A_105 = vector.broadcast %jit3A_104 : f32 to vector<320x320xf32>
    %select_n3A_106 = arith.select %eq3A_103, %broadcast_in_dim3A_105, %select_n3A_76 : vector<320x320xi1>, vector<320x320xf32>
    %reduce_min3A_107 = arith.constant dense<0x7F800000> : vector<320xf32>
    %reduce_min3A_108 = vector.multi_reduction <minimumf>, %select_n3A_106, %reduce_min3A_107 [1] : vector<320x320xf32> to vector<320xf32>
    %broadcast_in_dim3A_109 = vector.shape_cast %reduce_min3A_108 : vector<320xf32> to vector<320x1xf32>
    %eq3A_110 = vector.broadcast %broadcast_in_dim3A_109 : vector<320x1xf32> to vector<320x320xf32>
    %eq3A_111 = arith.cmpf oeq, %select_n3A_106, %eq3A_110 : vector<320x320xf32>
    %jit3A_112 = arith.constant 1073741824 : i32
    %broadcast_in_dim3A_113 = vector.broadcast %jit3A_112 : i32 to vector<320x320xi32>
    %select_n3A_114 = arith.select %eq3A_111, %iota3A, %broadcast_in_dim3A_113 : vector<320x320xi1>, vector<320x320xi32>
    %reduce_min3A_115 = arith.constant dense<2147483647> : vector<320xi32>
    %reduce_min3A_116 = vector.multi_reduction <minsi>, %select_n3A_114, %reduce_min3A_115 [1] : vector<320x320xi32> to vector<320xi32>
    %mul3A_117 = arith.constant 6 : i32
    %mul3A_118 = vector.broadcast %mul3A_117 : i32 to vector<320xi32>
    %mul3A_119 = arith.muli %reduce_min3A_116, %mul3A_118 : vector<320xi32>
    %add3A_120 = vector.broadcast %mul3A_21 : i32 to vector<320xi32>
    %add3A_121 = arith.addi %add3A_120, %mul3A_119 : vector<320xi32>
    %add3A_122 = arith.constant 3 : i32
    %add3A_123 = vector.broadcast %add3A_122 : i32 to vector<320xi32>
    %add3A_124 = arith.addi %add3A_121, %add3A_123 : vector<320xi32>
    %swap3A_125 = arith.constant 0 : index
    %swap3A_126 = arith.constant 0 : index
    %swap3A_127 = arith.constant 3 : index
    %swap3A_128 = vector.load %arg3[%swap3A_125, %swap3A_126, %swap3A_127] : memref<1x320x6xi32, #tpu.memory_space<vmem>>, vector<1x320x1xi32>
    %swap3A_129 = vector.shape_cast %swap3A_128 : vector<1x320x1xi32> to vector<320xi32>
    %swap3A_130 = vector.shape_cast %add3A_124 : vector<320xi32> to vector<1x320x1xi32>
    tpu.vector_store %arg3[%swap3A_125, %swap3A_126, %swap3A_127], %swap3A_130 {strides = array<i32>} : memref<1x320x6xi32, #tpu.memory_space<vmem>>, vector<1x320x1xi32>,
    %broadcast_in_dim3A_131 = vector.shape_cast %reduce_min3A_116 : vector<320xi32> to vector<320x1xi32>
    %eq3A_132 = vector.broadcast %broadcast_in_dim3A_131 : vector<320x1xi32> to vector<320x320xi32>
    %eq3A_133 = arith.cmpi eq, %iota3A, %eq3A_132 : vector<320x320xi32>
    %jit3A_134 = arith.constant 0x7F800000 : f32
    %broadcast_in_dim3A_135 = vector.broadcast %jit3A_134 : f32 to vector<320x320xf32>
    %select_n3A_136 = arith.select %eq3A_133, %broadcast_in_dim3A_135, %select_n3A_106 : vector<320x320xi1>, vector<320x320xf32>
    %reduce_min3A_137 = arith.constant dense<0x7F800000> : vector<320xf32>
    %reduce_min3A_138 = vector.multi_reduction <minimumf>, %select_n3A_136, %reduce_min3A_137 [1] : vector<320x320xf32> to vector<320xf32>
    %broadcast_in_dim3A_139 = vector.shape_cast %reduce_min3A_138 : vector<320xf32> to vector<320x1xf32>
    %eq3A_140 = vector.broadcast %broadcast_in_dim3A_139 : vector<320x1xf32> to vector<320x320xf32>
    %eq3A_141 = arith.cmpf oeq, %select_n3A_136, %eq3A_140 : vector<320x320xf32>
    %jit3A_142 = arith.constant 1073741824 : i32
    %broadcast_in_dim3A_143 = vector.broadcast %jit3A_142 : i32 to vector<320x320xi32>
    %select_n3A_144 = arith.select %eq3A_141, %iota3A, %broadcast_in_dim3A_143 : vector<320x320xi1>, vector<320x320xi32>
    %reduce_min3A_145 = arith.constant dense<2147483647> : vector<320xi32>
    %reduce_min3A_146 = vector.multi_reduction <minsi>, %select_n3A_144, %reduce_min3A_145 [1] : vector<320x320xi32> to vector<320xi32>
    %mul3A_147 = arith.constant 6 : i32
    %mul3A_148 = vector.broadcast %mul3A_147 : i32 to vector<320xi32>
    %mul3A_149 = arith.muli %reduce_min3A_146, %mul3A_148 : vector<320xi32>
    %add3A_150 = vector.broadcast %mul3A_21 : i32 to vector<320xi32>
    %add3A_151 = arith.addi %add3A_150, %mul3A_149 : vector<320xi32>
    %add3A_152 = arith.constant 4 : i32
    %add3A_153 = vector.broadcast %add3A_152 : i32 to vector<320xi32>
    %add3A_154 = arith.addi %add3A_151, %add3A_153 : vector<320xi32>
    %swap3A_155 = arith.constant 0 : index
    %swap3A_156 = arith.constant 0 : index
    %swap3A_157 = arith.constant 4 : index
    %swap3A_158 = vector.load %arg3[%swap3A_155, %swap3A_156, %swap3A_157] : memref<1x320x6xi32, #tpu.memory_space<vmem>>, vector<1x320x1xi32>
    %swap3A_159 = vector.shape_cast %swap3A_158 : vector<1x320x1xi32> to vector<320xi32>
    %swap3A_160 = vector.shape_cast %add3A_154 : vector<320xi32> to vector<1x320x1xi32>
    tpu.vector_store %arg3[%swap3A_155, %swap3A_156, %swap3A_157], %swap3A_160 {strides = array<i32>} : memref<1x320x6xi32, #tpu.memory_space<vmem>>, vector<1x320x1xi32>,
    %broadcast_in_dim3A_161 = vector.shape_cast %reduce_min3A_146 : vector<320xi32> to vector<320x1xi32>
    %eq3A_162 = vector.broadcast %broadcast_in_dim3A_161 : vector<320x1xi32> to vector<320x320xi32>
    %eq3A_163 = arith.cmpi eq, %iota3A, %eq3A_162 : vector<320x320xi32>
    %jit3A_164 = arith.constant 0x7F800000 : f32
    %broadcast_in_dim3A_165 = vector.broadcast %jit3A_164 : f32 to vector<320x320xf32>
    %select_n3A_166 = arith.select %eq3A_163, %broadcast_in_dim3A_165, %select_n3A_136 : vector<320x320xi1>, vector<320x320xf32>
    %reduce_min3A_167 = arith.constant dense<0x7F800000> : vector<320xf32>
    %reduce_min3A_168 = vector.multi_reduction <minimumf>, %select_n3A_166, %reduce_min3A_167 [1] : vector<320x320xf32> to vector<320xf32>
    %broadcast_in_dim3A_169 = vector.shape_cast %reduce_min3A_168 : vector<320xf32> to vector<320x1xf32>
    %eq3A_170 = vector.broadcast %broadcast_in_dim3A_169 : vector<320x1xf32> to vector<320x320xf32>
    %eq3A_171 = arith.cmpf oeq, %select_n3A_166, %eq3A_170 : vector<320x320xf32>
    %jit3A_172 = arith.constant 1073741824 : i32
    %broadcast_in_dim3A_173 = vector.broadcast %jit3A_172 : i32 to vector<320x320xi32>
    %select_n3A_174 = arith.select %eq3A_171, %iota3A, %broadcast_in_dim3A_173 : vector<320x320xi1>, vector<320x320xi32>
    %reduce_min3A_175 = arith.constant dense<2147483647> : vector<320xi32>
    %reduce_min3A_176 = vector.multi_reduction <minsi>, %select_n3A_174, %reduce_min3A_175 [1] : vector<320x320xi32> to vector<320xi32>
    %mul3A_177 = arith.constant 6 : i32
    %mul3A_178 = vector.broadcast %mul3A_177 : i32 to vector<320xi32>
    %mul3A_179 = arith.muli %reduce_min3A_176, %mul3A_178 : vector<320xi32>
    %add3A_180 = vector.broadcast %mul3A_21 : i32 to vector<320xi32>
    %add3A_181 = arith.addi %add3A_180, %mul3A_179 : vector<320xi32>
    %add3A_182 = arith.constant 5 : i32
    %add3A_183 = vector.broadcast %add3A_182 : i32 to vector<320xi32>
    %add3A_184 = arith.addi %add3A_181, %add3A_183 : vector<320xi32>
    %swap3A_185 = arith.constant 0 : index
    %swap3A_186 = arith.constant 0 : index
    %swap3A_187 = arith.constant 5 : index
    %swap3A_188 = vector.load %arg3[%swap3A_185, %swap3A_186, %swap3A_187] : memref<1x320x6xi32, #tpu.memory_space<vmem>>, vector<1x320x1xi32>
    %swap3A_189 = vector.shape_cast %swap3A_188 : vector<1x320x1xi32> to vector<320xi32>
    %swap3A_190 = vector.shape_cast %add3A_184 : vector<320xi32> to vector<1x320x1xi32>
    tpu.vector_store %arg3[%swap3A_185, %swap3A_186, %swap3A_187], %swap3A_190 {strides = array<i32>} : memref<1x320x6xi32, #tpu.memory_space<vmem>>, vector<1x320x1xi32>,
    return
  }
  func.func @transform_0(%arg0: i32) -> (i32, i32, i32) {
    %c0_i32 = arith.constant 0 : i32
    %c0_i32_0 = arith.constant 0 : i32
    %c0_i32_1 = arith.constant 0 : i32
    return %arg0, %c0_i32, %c0_i32_0 : i32, i32, i32
  }
  func.func @transform_1(%arg0: i32) -> (i32, i32, i32) {
    %c0_i32 = arith.constant 0 : i32
    %c0_i32_0 = arith.constant 0 : i32
    %c0_i32_1 = arith.constant 0 : i32
    return %arg0, %c0_i32, %c0_i32_0 : i32, i32, i32
  }
  func.func @transform_2(%arg0: i32) -> (i32, i32, i32) {
    %c0_i32 = arith.constant 0 : i32
    %c0_i32_0 = arith.constant 0 : i32
    %c0_i32_1 = arith.constant 0 : i32
    return %arg0, %c0_i32, %c0_i32_0 : i32, i32, i32
  }
}

module attributes {stable_mosaic.version = 14 : i64} {
  func.func @_table_body(%arg0: i32, %arg1: i32, %arg2: memref<1x64x64x40xf32, #tpu.memory_space<vmem>>, %arg3: memref<384x64xf32, #tpu.memory_space<vmem>>, %arg4: memref<1x64x6x64x40xf32, #tpu.memory_space<vmem>>) attributes {dimension_semantics = [#tpu.dimension_semantics<arbitrary>, #tpu.dimension_semantics<arbitrary>], iteration_bounds = array<i64: 8, 5>, scalar_prefetch = 0 : i64, scratch_operands = 0 : i64, tpu.core_type = #tpu.core_type<tc>, window_params = [{transform_indices = @transform_0, window_bounds = array<i64: 1, 64, 64, 40>}, {pipeline_mode = #tpu.pipeline_mode<synchronous>, transform_indices = @transform_1, window_bounds = array<i64: 384, 64>}, {transform_indices = @transform_2, window_bounds = array<i64: 1, 64, 6, 64, 40>}]} {
    %get3A = arith.constant 0 : index
    %get3A_0 = arith.constant 0 : index
    %get3A_1 = arith.constant 0 : index
    %get3A_2 = arith.constant 0 : index
    %get3A_3 = vector.load %arg2[%get3A, %get3A_0, %get3A_1, %get3A_2] : memref<1x64x64x40xf32, #tpu.memory_space<vmem>>, vector<1x64x64x40xf32>
    %get3A_4 = vector.shape_cast %get3A_3 : vector<1x64x64x40xf32> to vector<64x64x40xf32>
    %get3A_5 = arith.constant 0 : index
    %get3A_6 = arith.constant 0 : index
    %get3A_7 = vector.load %arg3[%get3A_5, %get3A_6] : memref<384x64xf32, #tpu.memory_space<vmem>>, vector<384x64xf32>
    %reshape3A = vector.shape_cast %get3A_4 : vector<64x64x40xf32> to vector<64x2560xf32>
    %dot_general3A = arith.constant dense<0.000000e+00> : vector<384x2560xf32>
    %dot_general3A_8 = tpu.matmul %get3A_7, %reshape3A, %dot_general3A {dimension_numbers = #tpu.dot_dimension_numbers<[1], [0], [0], [1], [0, 0, 1, 1], [], []>, transpose_lhs_hint = false} : vector<384x64xf32>, vector<64x2560xf32>, vector<384x2560xf32> -> vector<384x2560xf32>
    %reshape3A_9 = vector.shape_cast %dot_general3A_8 : vector<384x2560xf32> to vector<6x64x64x40xf32>
    %transpose3A = tpu.transpose %reshape3A_9, [2, 0, 1, 3] : vector<6x64x64x40xf32> -> vector<64x6x64x40xf32>
    %swap3A = arith.constant 0 : index
    %swap3A_10 = arith.constant 0 : index
    %swap3A_11 = arith.constant 0 : index
    %swap3A_12 = arith.constant 0 : index
    %swap3A_13 = arith.constant 0 : index
    %swap3A_14 = vector.load %arg4[%swap3A, %swap3A_10, %swap3A_11, %swap3A_12, %swap3A_13] : memref<1x64x6x64x40xf32, #tpu.memory_space<vmem>>, vector<1x64x6x64x40xf32>
    %swap3A_15 = vector.shape_cast %swap3A_14 : vector<1x64x6x64x40xf32> to vector<64x6x64x40xf32>
    %swap3A_16 = vector.shape_cast %transpose3A : vector<64x6x64x40xf32> to vector<1x64x6x64x40xf32>
    tpu.vector_store %arg4[%swap3A, %swap3A_10, %swap3A_11, %swap3A_12, %swap3A_13], %swap3A_16 {strides = array<i32>} : memref<1x64x6x64x40xf32, #tpu.memory_space<vmem>>, vector<1x64x6x64x40xf32>,
    return
  }
  func.func @transform_0(%arg0: i32, %arg1: i32) -> (i32, i32, i32, i32) {
    %c0_i32 = arith.constant 0 : i32
    %c0_i32_0 = arith.constant 0 : i32
    %c0_i32_1 = arith.constant 0 : i32
    return %arg0, %c0_i32, %arg1, %c0_i32_0 : i32, i32, i32, i32
  }
  func.func @transform_1(%arg0: i32, %arg1: i32) -> (i32, i32) {
    %c0_i32 = arith.constant 0 : i32
    %c0_i32_0 = arith.constant 0 : i32
    %c0_i32_1 = arith.constant 0 : i32
    return %c0_i32, %c0_i32_0 : i32, i32
  }
  func.func @transform_2(%arg0: i32, %arg1: i32) -> (i32, i32, i32, i32, i32) {
    %c0_i32 = arith.constant 0 : i32
    %c0_i32_0 = arith.constant 0 : i32
    %c0_i32_1 = arith.constant 0 : i32
    %c0_i32_2 = arith.constant 0 : i32
    return %arg0, %arg1, %c0_i32, %c0_i32_0, %c0_i32_1 : i32, i32, i32, i32, i32
  }
}

module attributes {stable_mosaic.version = 14 : i64} {
  func.func @_conv_body(%arg0: i32, %arg1: memref<1x64x2560xf32, #tpu.memory_space<vmem>>, %arg2: memref<1x64x2560xf32, #tpu.memory_space<vmem>>, %arg3: memref<3x3x64x128xf32, #tpu.memory_space<vmem>>, %arg4: memref<5x64x8x64xf32, #tpu.memory_space<vmem>>, %arg5: memref<64x2560xf32, #tpu.memory_space<vmem>>) attributes {dimension_semantics = [#tpu.dimension_semantics<arbitrary>], iteration_bounds = array<i64: 40>, scalar_prefetch = 0 : i64, scratch_operands = 1 : i64, tpu.core_type = #tpu.core_type<tc>, window_params = [{transform_indices = @transform_0, window_bounds = array<i64: 1, 64, 2560>}, {transform_indices = @transform_1, window_bounds = array<i64: 1, 64, 2560>}, {pipeline_mode = #tpu.pipeline_mode<synchronous>, transform_indices = @transform_2, window_bounds = array<i64: 3, 3, 64, 128>}, {transform_indices = @transform_3, window_bounds = array<i64: 5, 64, 8, 64>}]} {
    %get3A = arith.constant 0 : index
    %get3A_0 = arith.constant 0 : index
    %get3A_1 = arith.constant 0 : index
    %get3A_2 = vector.load %arg1[%get3A, %get3A_0, %get3A_1] : memref<1x64x2560xf32, #tpu.memory_space<vmem>>, vector<1x64x2560xf32>
    %get3A_3 = vector.shape_cast %get3A_2 : vector<1x64x2560xf32> to vector<64x2560xf32>
    %gt3A = arith.constant 0.000000e+00 : f32
    %gt3A_4 = vector.broadcast %gt3A : f32 to vector<64x2560xf32>
    %gt3A_5 = arith.cmpf ogt, %get3A_3, %gt3A_4 : vector<64x2560xf32>
    %mul3A = arith.constant 1.000000e-01 : f32
    %mul3A_6 = vector.broadcast %mul3A : f32 to vector<64x2560xf32>
    %mul3A_7 = arith.mulf %mul3A_6, %get3A_3 : vector<64x2560xf32>
    %select_n3A = arith.select %gt3A_5, %get3A_3, %mul3A_7 : vector<64x2560xi1>, vector<64x2560xf32>
    %get3A_8 = arith.constant 0 : index
    %get3A_9 = arith.constant 0 : index
    %get3A_10 = arith.constant 0 : index
    %get3A_11 = vector.load %arg2[%get3A_8, %get3A_9, %get3A_10] : memref<1x64x2560xf32, #tpu.memory_space<vmem>>, vector<1x64x2560xf32>
    %get3A_12 = vector.shape_cast %get3A_11 : vector<1x64x2560xf32> to vector<64x2560xf32>
    %concatenate3A = tpu.concatenate %get3A_12, %select_n3A in 0 : vector<64x2560xf32>, vector<64x2560xf32> -> vector<128x2560xf32>
    %broadcast_in_dim3A = arith.constant 0.000000e+00 : f32
    %broadcast_in_dim3A_13 = vector.broadcast %broadcast_in_dim3A : f32 to vector<64x2560xf32>
    %swap3A = arith.constant 0 : index
    %swap3A_14 = arith.constant 0 : index
    %swap3A_15 = vector.load %arg5[%swap3A, %swap3A_14] : memref<64x2560xf32, #tpu.memory_space<vmem>>, vector<64x2560xf32>
    tpu.vector_store %arg5[%swap3A, %swap3A_14], %broadcast_in_dim3A_13 {strides = array<i32>} : memref<64x2560xf32, #tpu.memory_space<vmem>>, vector<64x2560xf32>,
    %iota3A = tpu.iota {dimensions = array<i32: 1>} : vector<64x2560xi32>
    %and3A = arith.constant 63 : i32
    %and3A_16 = vector.broadcast %and3A : i32 to vector<64x2560xi32>
    %and3A_17 = arith.andi %iota3A, %and3A_16 : vector<64x2560xi32>
    %get3A_18 = arith.constant 0 : index
    %get3A_19 = arith.constant 0 : index
    %get3A_20 = arith.constant 0 : index
    %get3A_21 = arith.constant 0 : index
    %get3A_22 = vector.load %arg3[%get3A_18, %get3A_19, %get3A_20, %get3A_21] : memref<3x3x64x128xf32, #tpu.memory_space<vmem>>, vector<1x1x64x128xf32>
    %get3A_23 = vector.shape_cast %get3A_22 : vector<1x1x64x128xf32> to vector<64x128xf32>
    %dot_general3A = arith.constant dense<0.000000e+00> : vector<64x2560xf32>
    %dot_general3A_24 = tpu.matmul %get3A_23, %concatenate3A, %dot_general3A {dimension_numbers = #tpu.dot_dimension_numbers<[1], [0], [0], [1], [0, 0, 1, 1], [], []>, transpose_lhs_hint = false} : vector<64x128xf32>, vector<128x2560xf32>, vector<64x2560xf32> -> vector<64x2560xf32>
    %eq3A = arith.constant 63 : i32
    %eq3A_25 = vector.broadcast %eq3A : i32 to vector<64x2560xi32>
    %eq3A_26 = arith.cmpi eq, %and3A_17, %eq3A_25 : vector<64x2560xi32>
    %jit3A = arith.constant 0.000000e+00 : f32
    %broadcast_in_dim3A_27 = vector.broadcast %jit3A : f32 to vector<64x2560xf32>
    %select_n3A_28 = arith.select %eq3A_26, %broadcast_in_dim3A_27, %dot_general3A_24 : vector<64x2560xi1>, vector<64x2560xf32>
    %get3A_29 = arith.constant 0 : index
    %get3A_30 = arith.constant 513 : index
    %get3A_31 = vector.load %arg5[%get3A_29, %get3A_30] : memref<64x2560xf32, #tpu.memory_space<vmem>>, vector<64x2047xf32>
    %slice3A = vector.extract_strided_slice %select_n3A_28 {offsets = [0, 0], sizes = [64, 2047], strides = [1, 1]} : vector<64x2560xf32> to vector<64x2047xf32>
    %add3A = arith.addf %get3A_31, %slice3A : vector<64x2047xf32>
    %swap3A_32 = arith.constant 0 : index
    %swap3A_33 = arith.constant 513 : index
    %swap3A_34 = vector.load %arg5[%swap3A_32, %swap3A_33] : memref<64x2560xf32, #tpu.memory_space<vmem>>, vector<64x2047xf32>
    tpu.vector_store %arg5[%swap3A_32, %swap3A_33], %add3A {strides = array<i32>} : memref<64x2560xf32, #tpu.memory_space<vmem>>, vector<64x2047xf32>,
    %get3A_35 = arith.constant 0 : index
    %get3A_36 = arith.constant 1 : index
    %get3A_37 = arith.constant 0 : index
    %get3A_38 = arith.constant 0 : index
    %get3A_39 = vector.load %arg3[%get3A_35, %get3A_36, %get3A_37, %get3A_38] : memref<3x3x64x128xf32, #tpu.memory_space<vmem>>, vector<1x1x64x128xf32>
    %get3A_40 = vector.shape_cast %get3A_39 : vector<1x1x64x128xf32> to vector<64x128xf32>
    %dot_general3A_41 = arith.constant dense<0.000000e+00> : vector<64x2560xf32>
    %dot_general3A_42 = tpu.matmul %get3A_40, %concatenate3A, %dot_general3A_41 {dimension_numbers = #tpu.dot_dimension_numbers<[1], [0], [0], [1], [0, 0, 1, 1], [], []>, transpose_lhs_hint = false} : vector<64x128xf32>, vector<128x2560xf32>, vector<64x2560xf32> -> vector<64x2560xf32>
    %get3A_43 = arith.constant 0 : index
    %get3A_44 = arith.constant 512 : index
    %get3A_45 = vector.load %arg5[%get3A_43, %get3A_44] : memref<64x2560xf32, #tpu.memory_space<vmem>>, vector<64x2048xf32>
    %slice3A_46 = vector.extract_strided_slice %dot_general3A_42 {offsets = [0, 0], sizes = [64, 2048], strides = [1, 1]} : vector<64x2560xf32> to vector<64x2048xf32>
    %add3A_47 = arith.addf %get3A_45, %slice3A_46 : vector<64x2048xf32>
    %swap3A_48 = arith.constant 0 : index
    %swap3A_49 = arith.constant 512 : index
    %swap3A_50 = vector.load %arg5[%swap3A_48, %swap3A_49] : memref<64x2560xf32, #tpu.memory_space<vmem>>, vector<64x2048xf32>
    tpu.vector_store %arg5[%swap3A_48, %swap3A_49], %add3A_47 {strides = array<i32>} : memref<64x2560xf32, #tpu.memory_space<vmem>>, vector<64x2048xf32>,
    %get3A_51 = arith.constant 0 : index
    %get3A_52 = arith.constant 2 : index
    %get3A_53 = arith.constant 0 : index
    %get3A_54 = arith.constant 0 : index
    %get3A_55 = vector.load %arg3[%get3A_51, %get3A_52, %get3A_53, %get3A_54] : memref<3x3x64x128xf32, #tpu.memory_space<vmem>>, vector<1x1x64x128xf32>
    %get3A_56 = vector.shape_cast %get3A_55 : vector<1x1x64x128xf32> to vector<64x128xf32>
    %dot_general3A_57 = arith.constant dense<0.000000e+00> : vector<64x2560xf32>
    %dot_general3A_58 = tpu.matmul %get3A_56, %concatenate3A, %dot_general3A_57 {dimension_numbers = #tpu.dot_dimension_numbers<[1], [0], [0], [1], [0, 0, 1, 1], [], []>, transpose_lhs_hint = false} : vector<64x128xf32>, vector<128x2560xf32>, vector<64x2560xf32> -> vector<64x2560xf32>
    %eq3A_59 = arith.constant 0 : i32
    %eq3A_60 = vector.broadcast %eq3A_59 : i32 to vector<64x2560xi32>
    %eq3A_61 = arith.cmpi eq, %and3A_17, %eq3A_60 : vector<64x2560xi32>
    %jit3A_62 = arith.constant 0.000000e+00 : f32
    %broadcast_in_dim3A_63 = vector.broadcast %jit3A_62 : f32 to vector<64x2560xf32>
    %select_n3A_64 = arith.select %eq3A_61, %broadcast_in_dim3A_63, %dot_general3A_58 : vector<64x2560xi1>, vector<64x2560xf32>
    %get3A_65 = arith.constant 0 : index
    %get3A_66 = arith.constant 512 : index
    %get3A_67 = vector.load %arg5[%get3A_65, %get3A_66] : memref<64x2560xf32, #tpu.memory_space<vmem>>, vector<64x2047xf32>
    %slice3A_68 = vector.extract_strided_slice %select_n3A_64 {offsets = [0, 1], sizes = [64, 2047], strides = [1, 1]} : vector<64x2560xf32> to vector<64x2047xf32>
    %add3A_69 = arith.addf %get3A_67, %slice3A_68 : vector<64x2047xf32>
    %swap3A_70 = arith.constant 0 : index
    %swap3A_71 = arith.constant 512 : index
    %swap3A_72 = vector.load %arg5[%swap3A_70, %swap3A_71] : memref<64x2560xf32, #tpu.memory_space<vmem>>, vector<64x2047xf32>
    tpu.vector_store %arg5[%swap3A_70, %swap3A_71], %add3A_69 {strides = array<i32>} : memref<64x2560xf32, #tpu.memory_space<vmem>>, vector<64x2047xf32>,
    %get3A_73 = arith.constant 1 : index
    %get3A_74 = arith.constant 0 : index
    %get3A_75 = arith.constant 0 : index
    %get3A_76 = arith.constant 0 : index
    %get3A_77 = vector.load %arg3[%get3A_73, %get3A_74, %get3A_75, %get3A_76] : memref<3x3x64x128xf32, #tpu.memory_space<vmem>>, vector<1x1x64x128xf32>
    %get3A_78 = vector.shape_cast %get3A_77 : vector<1x1x64x128xf32> to vector<64x128xf32>
    %dot_general3A_79 = arith.constant dense<0.000000e+00> : vector<64x2560xf32>
    %dot_general3A_80 = tpu.matmul %get3A_78, %concatenate3A, %dot_general3A_79 {dimension_numbers = #tpu.dot_dimension_numbers<[1], [0], [0], [1], [0, 0, 1, 1], [], []>, transpose_lhs_hint = false} : vector<64x128xf32>, vector<128x2560xf32>, vector<64x2560xf32> -> vector<64x2560xf32>
    %eq3A_81 = arith.constant 63 : i32
    %eq3A_82 = vector.broadcast %eq3A_81 : i32 to vector<64x2560xi32>
    %eq3A_83 = arith.cmpi eq, %and3A_17, %eq3A_82 : vector<64x2560xi32>
    %jit3A_84 = arith.constant 0.000000e+00 : f32
    %broadcast_in_dim3A_85 = vector.broadcast %jit3A_84 : f32 to vector<64x2560xf32>
    %select_n3A_86 = arith.select %eq3A_83, %broadcast_in_dim3A_85, %dot_general3A_80 : vector<64x2560xi1>, vector<64x2560xf32>
    %get3A_87 = arith.constant 0 : index
    %get3A_88 = arith.constant 1 : index
    %get3A_89 = vector.load %arg5[%get3A_87, %get3A_88] : memref<64x2560xf32, #tpu.memory_space<vmem>>, vector<64x2559xf32>
    %slice3A_90 = vector.extract_strided_slice %select_n3A_86 {offsets = [0, 0], sizes = [64, 2559], strides = [1, 1]} : vector<64x2560xf32> to vector<64x2559xf32>
    %add3A_91 = arith.addf %get3A_89, %slice3A_90 : vector<64x2559xf32>
    %swap3A_92 = arith.constant 0 : index
    %swap3A_93 = arith.constant 1 : index
    %swap3A_94 = vector.load %arg5[%swap3A_92, %swap3A_93] : memref<64x2560xf32, #tpu.memory_space<vmem>>, vector<64x2559xf32>
    tpu.vector_store %arg5[%swap3A_92, %swap3A_93], %add3A_91 {strides = array<i32>} : memref<64x2560xf32, #tpu.memory_space<vmem>>, vector<64x2559xf32>,
    %get3A_95 = arith.constant 1 : index
    %get3A_96 = arith.constant 1 : index
    %get3A_97 = arith.constant 0 : index
    %get3A_98 = arith.constant 0 : index
    %get3A_99 = vector.load %arg3[%get3A_95, %get3A_96, %get3A_97, %get3A_98] : memref<3x3x64x128xf32, #tpu.memory_space<vmem>>, vector<1x1x64x128xf32>
    %get3A_100 = vector.shape_cast %get3A_99 : vector<1x1x64x128xf32> to vector<64x128xf32>
    %dot_general3A_101 = arith.constant dense<0.000000e+00> : vector<64x2560xf32>
    %dot_general3A_102 = tpu.matmul %get3A_100, %concatenate3A, %dot_general3A_101 {dimension_numbers = #tpu.dot_dimension_numbers<[1], [0], [0], [1], [0, 0, 1, 1], [], []>, transpose_lhs_hint = false} : vector<64x128xf32>, vector<128x2560xf32>, vector<64x2560xf32> -> vector<64x2560xf32>
    %get3A_103 = arith.constant 0 : index
    %get3A_104 = arith.constant 0 : index
    %get3A_105 = vector.load %arg5[%get3A_103, %get3A_104] : memref<64x2560xf32, #tpu.memory_space<vmem>>, vector<64x2560xf32>
    %add3A_106 = arith.addf %get3A_105, %dot_general3A_102 : vector<64x2560xf32>
    %swap3A_107 = arith.constant 0 : index
    %swap3A_108 = arith.constant 0 : index
    %swap3A_109 = vector.load %arg5[%swap3A_107, %swap3A_108] : memref<64x2560xf32, #tpu.memory_space<vmem>>, vector<64x2560xf32>
    tpu.vector_store %arg5[%swap3A_107, %swap3A_108], %add3A_106 {strides = array<i32>} : memref<64x2560xf32, #tpu.memory_space<vmem>>, vector<64x2560xf32>,
    %get3A_110 = arith.constant 1 : index
    %get3A_111 = arith.constant 2 : index
    %get3A_112 = arith.constant 0 : index
    %get3A_113 = arith.constant 0 : index
    %get3A_114 = vector.load %arg3[%get3A_110, %get3A_111, %get3A_112, %get3A_113] : memref<3x3x64x128xf32, #tpu.memory_space<vmem>>, vector<1x1x64x128xf32>
    %get3A_115 = vector.shape_cast %get3A_114 : vector<1x1x64x128xf32> to vector<64x128xf32>
    %dot_general3A_116 = arith.constant dense<0.000000e+00> : vector<64x2560xf32>
    %dot_general3A_117 = tpu.matmul %get3A_115, %concatenate3A, %dot_general3A_116 {dimension_numbers = #tpu.dot_dimension_numbers<[1], [0], [0], [1], [0, 0, 1, 1], [], []>, transpose_lhs_hint = false} : vector<64x128xf32>, vector<128x2560xf32>, vector<64x2560xf32> -> vector<64x2560xf32>
    %eq3A_118 = arith.constant 0 : i32
    %eq3A_119 = vector.broadcast %eq3A_118 : i32 to vector<64x2560xi32>
    %eq3A_120 = arith.cmpi eq, %and3A_17, %eq3A_119 : vector<64x2560xi32>
    %jit3A_121 = arith.constant 0.000000e+00 : f32
    %broadcast_in_dim3A_122 = vector.broadcast %jit3A_121 : f32 to vector<64x2560xf32>
    %select_n3A_123 = arith.select %eq3A_120, %broadcast_in_dim3A_122, %dot_general3A_117 : vector<64x2560xi1>, vector<64x2560xf32>
    %get3A_124 = arith.constant 0 : index
    %get3A_125 = arith.constant 0 : index
    %get3A_126 = vector.load %arg5[%get3A_124, %get3A_125] : memref<64x2560xf32, #tpu.memory_space<vmem>>, vector<64x2559xf32>
    %slice3A_127 = vector.extract_strided_slice %select_n3A_123 {offsets = [0, 1], sizes = [64, 2559], strides = [1, 1]} : vector<64x2560xf32> to vector<64x2559xf32>
    %add3A_128 = arith.addf %get3A_126, %slice3A_127 : vector<64x2559xf32>
    %swap3A_129 = arith.constant 0 : index
    %swap3A_130 = arith.constant 0 : index
    %swap3A_131 = vector.load %arg5[%swap3A_129, %swap3A_130] : memref<64x2560xf32, #tpu.memory_space<vmem>>, vector<64x2559xf32>
    tpu.vector_store %arg5[%swap3A_129, %swap3A_130], %add3A_128 {strides = array<i32>} : memref<64x2560xf32, #tpu.memory_space<vmem>>, vector<64x2559xf32>,
    %get3A_132 = arith.constant 2 : index
    %get3A_133 = arith.constant 0 : index
    %get3A_134 = arith.constant 0 : index
    %get3A_135 = arith.constant 0 : index
    %get3A_136 = vector.load %arg3[%get3A_132, %get3A_133, %get3A_134, %get3A_135] : memref<3x3x64x128xf32, #tpu.memory_space<vmem>>, vector<1x1x64x128xf32>
    %get3A_137 = vector.shape_cast %get3A_136 : vector<1x1x64x128xf32> to vector<64x128xf32>
    %dot_general3A_138 = arith.constant dense<0.000000e+00> : vector<64x2560xf32>
    %dot_general3A_139 = tpu.matmul %get3A_137, %concatenate3A, %dot_general3A_138 {dimension_numbers = #tpu.dot_dimension_numbers<[1], [0], [0], [1], [0, 0, 1, 1], [], []>, transpose_lhs_hint = false} : vector<64x128xf32>, vector<128x2560xf32>, vector<64x2560xf32> -> vector<64x2560xf32>
    %eq3A_140 = arith.constant 63 : i32
    %eq3A_141 = vector.broadcast %eq3A_140 : i32 to vector<64x2560xi32>
    %eq3A_142 = arith.cmpi eq, %and3A_17, %eq3A_141 : vector<64x2560xi32>
    %jit3A_143 = arith.constant 0.000000e+00 : f32
    %broadcast_in_dim3A_144 = vector.broadcast %jit3A_143 : f32 to vector<64x2560xf32>
    %select_n3A_145 = arith.select %eq3A_142, %broadcast_in_dim3A_144, %dot_general3A_139 : vector<64x2560xi1>, vector<64x2560xf32>
    %get3A_146 = arith.constant 0 : index
    %get3A_147 = arith.constant 1 : index
    %get3A_148 = vector.load %arg5[%get3A_146, %get3A_147] : memref<64x2560xf32, #tpu.memory_space<vmem>>, vector<64x2047xf32>
    %slice3A_149 = vector.extract_strided_slice %select_n3A_145 {offsets = [0, 512], sizes = [64, 2047], strides = [1, 1]} : vector<64x2560xf32> to vector<64x2047xf32>
    %add3A_150 = arith.addf %get3A_148, %slice3A_149 : vector<64x2047xf32>
    %swap3A_151 = arith.constant 0 : index
    %swap3A_152 = arith.constant 1 : index
    %swap3A_153 = vector.load %arg5[%swap3A_151, %swap3A_152] : memref<64x2560xf32, #tpu.memory_space<vmem>>, vector<64x2047xf32>
    tpu.vector_store %arg5[%swap3A_151, %swap3A_152], %add3A_150 {strides = array<i32>} : memref<64x2560xf32, #tpu.memory_space<vmem>>, vector<64x2047xf32>,
    %get3A_154 = arith.constant 2 : index
    %get3A_155 = arith.constant 1 : index
    %get3A_156 = arith.constant 0 : index
    %get3A_157 = arith.constant 0 : index
    %get3A_158 = vector.load %arg3[%get3A_154, %get3A_155, %get3A_156, %get3A_157] : memref<3x3x64x128xf32, #tpu.memory_space<vmem>>, vector<1x1x64x128xf32>
    %get3A_159 = vector.shape_cast %get3A_158 : vector<1x1x64x128xf32> to vector<64x128xf32>
    %dot_general3A_160 = arith.constant dense<0.000000e+00> : vector<64x2560xf32>
    %dot_general3A_161 = tpu.matmul %get3A_159, %concatenate3A, %dot_general3A_160 {dimension_numbers = #tpu.dot_dimension_numbers<[1], [0], [0], [1], [0, 0, 1, 1], [], []>, transpose_lhs_hint = false} : vector<64x128xf32>, vector<128x2560xf32>, vector<64x2560xf32> -> vector<64x2560xf32>
    %get3A_162 = arith.constant 0 : index
    %get3A_163 = arith.constant 0 : index
    %get3A_164 = vector.load %arg5[%get3A_162, %get3A_163] : memref<64x2560xf32, #tpu.memory_space<vmem>>, vector<64x2048xf32>
    %slice3A_165 = vector.extract_strided_slice %dot_general3A_161 {offsets = [0, 512], sizes = [64, 2048], strides = [1, 1]} : vector<64x2560xf32> to vector<64x2048xf32>
    %add3A_166 = arith.addf %get3A_164, %slice3A_165 : vector<64x2048xf32>
    %swap3A_167 = arith.constant 0 : index
    %swap3A_168 = arith.constant 0 : index
    %swap3A_169 = vector.load %arg5[%swap3A_167, %swap3A_168] : memref<64x2560xf32, #tpu.memory_space<vmem>>, vector<64x2048xf32>
    tpu.vector_store %arg5[%swap3A_167, %swap3A_168], %add3A_166 {strides = array<i32>} : memref<64x2560xf32, #tpu.memory_space<vmem>>, vector<64x2048xf32>,
    %get3A_170 = arith.constant 2 : index
    %get3A_171 = arith.constant 2 : index
    %get3A_172 = arith.constant 0 : index
    %get3A_173 = arith.constant 0 : index
    %get3A_174 = vector.load %arg3[%get3A_170, %get3A_171, %get3A_172, %get3A_173] : memref<3x3x64x128xf32, #tpu.memory_space<vmem>>, vector<1x1x64x128xf32>
    %get3A_175 = vector.shape_cast %get3A_174 : vector<1x1x64x128xf32> to vector<64x128xf32>
    %dot_general3A_176 = arith.constant dense<0.000000e+00> : vector<64x2560xf32>
    %dot_general3A_177 = tpu.matmul %get3A_175, %concatenate3A, %dot_general3A_176 {dimension_numbers = #tpu.dot_dimension_numbers<[1], [0], [0], [1], [0, 0, 1, 1], [], []>, transpose_lhs_hint = false} : vector<64x128xf32>, vector<128x2560xf32>, vector<64x2560xf32> -> vector<64x2560xf32>
    %eq3A_178 = arith.constant 0 : i32
    %eq3A_179 = vector.broadcast %eq3A_178 : i32 to vector<64x2560xi32>
    %eq3A_180 = arith.cmpi eq, %and3A_17, %eq3A_179 : vector<64x2560xi32>
    %jit3A_181 = arith.constant 0.000000e+00 : f32
    %broadcast_in_dim3A_182 = vector.broadcast %jit3A_181 : f32 to vector<64x2560xf32>
    %select_n3A_183 = arith.select %eq3A_180, %broadcast_in_dim3A_182, %dot_general3A_177 : vector<64x2560xi1>, vector<64x2560xf32>
    %get3A_184 = arith.constant 0 : index
    %get3A_185 = arith.constant 0 : index
    %get3A_186 = vector.load %arg5[%get3A_184, %get3A_185] : memref<64x2560xf32, #tpu.memory_space<vmem>>, vector<64x2047xf32>
    %slice3A_187 = vector.extract_strided_slice %select_n3A_183 {offsets = [0, 513], sizes = [64, 2047], strides = [1, 1]} : vector<64x2560xf32> to vector<64x2047xf32>
    %add3A_188 = arith.addf %get3A_186, %slice3A_187 : vector<64x2047xf32>
    %swap3A_189 = arith.constant 0 : index
    %swap3A_190 = arith.constant 0 : index
    %swap3A_191 = vector.load %arg5[%swap3A_189, %swap3A_190] : memref<64x2560xf32, #tpu.memory_space<vmem>>, vector<64x2047xf32>
    tpu.vector_store %arg5[%swap3A_189, %swap3A_190], %add3A_188 {strides = array<i32>} : memref<64x2560xf32, #tpu.memory_space<vmem>>, vector<64x2047xf32>,
    %get3A_192 = arith.constant 0 : index
    %get3A_193 = arith.constant 0 : index
    %get3A_194 = vector.load %arg5[%get3A_192, %get3A_193] : memref<64x2560xf32, #tpu.memory_space<vmem>>, vector<64x2560xf32>
    %gt3A_195 = arith.constant 0.000000e+00 : f32
    %gt3A_196 = vector.broadcast %gt3A_195 : f32 to vector<64x2560xf32>
    %gt3A_197 = arith.cmpf ogt, %get3A_194, %gt3A_196 : vector<64x2560xf32>
    %mul3A_198 = arith.constant 1.000000e-01 : f32
    %mul3A_199 = vector.broadcast %mul3A_198 : f32 to vector<64x2560xf32>
    %mul3A_200 = arith.mulf %mul3A_199, %get3A_194 : vector<64x2560xf32>
    %select_n3A_201 = arith.select %gt3A_197, %get3A_194, %mul3A_200 : vector<64x2560xi1>, vector<64x2560xf32>
    %reshape3A = vector.shape_cast %select_n3A_201 : vector<64x2560xf32> to vector<64x5x8x64xf32>
    %transpose3A = tpu.transpose %reshape3A, [1, 0, 2, 3] : vector<64x5x8x64xf32> -> vector<5x64x8x64xf32>
    %swap3A_202 = arith.constant 0 : index
    %swap3A_203 = arith.constant 0 : index
    %swap3A_204 = arith.constant 0 : index
    %swap3A_205 = arith.constant 0 : index
    %swap3A_206 = vector.load %arg4[%swap3A_202, %swap3A_203, %swap3A_204, %swap3A_205] : memref<5x64x8x64xf32, #tpu.memory_space<vmem>>, vector<5x64x8x64xf32>
    tpu.vector_store %arg4[%swap3A_202, %swap3A_203, %swap3A_204, %swap3A_205], %transpose3A {strides = array<i32>} : memref<5x64x8x64xf32, #tpu.memory_space<vmem>>, vector<5x64x8x64xf32>,
    return
  }
  func.func @transform_0(%arg0: i32) -> (i32, i32, i32) {
    %c0_i32 = arith.constant 0 : i32
    %c0_i32_0 = arith.constant 0 : i32
    %c0_i32_1 = arith.constant 0 : i32
    return %arg0, %c0_i32, %c0_i32_0 : i32, i32, i32
  }
  func.func @transform_1(%arg0: i32) -> (i32, i32, i32) {
    %c0_i32 = arith.constant 0 : i32
    %c0_i32_0 = arith.constant 0 : i32
    %c0_i32_1 = arith.constant 0 : i32
    return %arg0, %c0_i32, %c0_i32_0 : i32, i32, i32
  }
  func.func @transform_2(%arg0: i32) -> (i32, i32, i32, i32) {
    %c0_i32 = arith.constant 0 : i32
    %c0_i32_0 = arith.constant 0 : i32
    %c0_i32_1 = arith.constant 0 : i32
    %c0_i32_2 = arith.constant 0 : i32
    %c0_i32_3 = arith.constant 0 : i32
    return %c0_i32, %c0_i32_0, %c0_i32_1, %c0_i32_2 : i32, i32, i32, i32
  }
  func.func @transform_3(%arg0: i32) -> (i32, i32, i32, i32) {
    %jit3A = arith.constant 8 : i32
    %div3A = arith.divsi %arg0, %jit3A : i32
    %sign3A = arith.constant 0 : i32
    %sign3A_0 = arith.cmpi sgt, %arg0, %sign3A : i32
    %sign3A_1 = arith.extui %sign3A_0 : i1 to i32
    %sign3A_2 = arith.constant 0 : i32
    %sign3A_3 = arith.cmpi slt, %arg0, %sign3A_2 : i32
    %sign3A_4 = arith.extui %sign3A_3 : i1 to i32
    %sign3A_5 = arith.subi %sign3A_1, %sign3A_4 : i32
    %sign3A_6 = arith.constant 0 : i32
    %sign3A_7 = arith.cmpi sgt, %jit3A, %sign3A_6 : i32
    %sign3A_8 = arith.extui %sign3A_7 : i1 to i32
    %sign3A_9 = arith.constant 0 : i32
    %sign3A_10 = arith.cmpi slt, %jit3A, %sign3A_9 : i32
    %sign3A_11 = arith.extui %sign3A_10 : i1 to i32
    %sign3A_12 = arith.subi %sign3A_8, %sign3A_11 : i32
    %ne3A = arith.cmpi ne, %sign3A_5, %sign3A_12 : i32
    %rem3A = arith.remsi %arg0, %jit3A : i32
    %ne3A_13 = arith.constant 0 : i32
    %ne3A_14 = arith.cmpi ne, %rem3A, %ne3A_13 : i32
    %and3A = arith.andi %ne3A, %ne3A_14 : i1
    %sub3A = arith.constant 1 : i32
    %sub3A_15 = arith.subi %div3A, %sub3A : i32
    %select_n3A = arith.select %and3A, %sub3A_15, %div3A : i32
    %jit3A_16 = arith.constant 8 : i32
    %eq3A = arith.constant 0 : i32
    %eq3A_17 = arith.cmpi eq, %jit3A_16, %eq3A : i32
    %jit3A_18 = arith.constant 1 : i32
    %select_n3A_19 = arith.select %eq3A_17, %jit3A_18, %jit3A_16 : i32
    %rem3A_20 = arith.remsi %arg0, %select_n3A_19 : i32
    %ne3A_21 = arith.constant 0 : i32
    %ne3A_22 = arith.cmpi ne, %rem3A_20, %ne3A_21 : i32
    %lt3A = arith.constant 0 : i32
    %lt3A_23 = arith.cmpi slt, %rem3A_20, %lt3A : i32
    %lt3A_24 = arith.constant 0 : i32
    %lt3A_25 = arith.cmpi slt, %select_n3A_19, %lt3A_24 : i32
    %ne3A_26 = arith.xori %lt3A_23, %lt3A_25 : i1
    %and3A_27 = arith.andi %ne3A_26, %ne3A_22 : i1
    %add3A = arith.addi %rem3A_20, %select_n3A_19 : i32
    %select_n3A_28 = arith.select %and3A_27, %add3A, %rem3A_20 : i32
    %c0_i32 = arith.constant 0 : i32
    %c0_i32_29 = arith.constant 0 : i32
    %c0_i32_30 = arith.constant 0 : i32
    return %select_n3A, %c0_i32, %select_n3A_28, %c0_i32_29 : i32, i32, i32, i32
  }
}

</mosaic_0001>

<sc_bundles>
// kernel: kernel.6.cloned.1.call-start
scs
__scs_entry_jumppad:
0x0: {  	(pc) =	sbr.rel $0x88, $3  }
0x1: {  	(tag) =	ssettag $0x0;
	lr =	simm.s32 $0x1  }
0x2: {  	[smem:$0x3F9E] =	sst lr;
	_ =	strace $0xD0000000  }
0x3: {  	_ = 	snop  }
0x4: {  	_ = 	snop  }
0x5: {  	_ = 	snop  }
0x6: {  	_ = 	snop  }
0x7: {  	_ = 	snop  }
__scs_overlays_trampoline_lowered:
0x8: {  	[smem:$0x3FAD] =	sst s0  }
0x9: {  	[smem:$0x3FAE] =	sst s1  }
0xa: {  	[smem:$0x3FAF] =	sst s2  }
0xb: {  	[smem:$0x3FB0] =	sst s3  }
0xc: {  	[smem:$0x3FB1] =	sst s4  }
0xd: {  	[smem:$0x3FB2] =	sst s5  }
0xe: {  	[smem:$0x3FB3] =	sst s6  }
0xf: {  	[smem:$0x3FB4] =	sst s7  }
0x10: {  	[smem:$0x3FB5] =	sst s8  }
0x11: {  	[smem:$0x3FB6] =	sst s9;
	s0 =	simm.s32 @!p0 $0x0  }
0x12: {  	s1 =	sld [smem:$0x3F9C];
	s0 =	simm.s32 @p0 $0x1  }
0x13: {  	[smem:$0x3FB7] =	sst s0;
	s0 =	simm.s32 @!p1 $0x0  }
0x14: {  	s2 =	sld [smem:$0x3F9B];
	s0 =	simm.s32 @p1 $0x1  }
0x15: {  	[smem:$0x3FB8] =	sst s0;
	s0 =	simm.s32 @!p2 $0x0  }
0x16: {  	s3 =	sld [smem:$0x3FDB];
	s0 =	simm.s32 @p2 $0x1  }
0x17: {  	s4 =	simm.s32 $0x1BF5;
	[smem:$0x3FBA] =	sst s0  }
0x18: {  	s0 =	sld [smem:$0x3F9D];
	_ =	swait.ge [sflag:s4], $0x0  }
0x19: {  	s7 =	sld [smem:$0x3F9E]  }
0x1a: {  	s8 =	sadd.s32 $0xFFFFE003, lr  }
0x1b: {  	s9 =	sadd.s32 $0xFFFFFEF7, lr;
	s5 =	simm.s32 $0xFFFFFFFF;
	p2 =	slt.u32 s8, $0xFFFFF086  }
0x1c: {  	p1 =	slt.u32 s9, $0xF7A;
	s5 =	simm.s32 @!p2 $0x0  }
0x1d: {  	s5 =	simm.s32 @p1 $0x1;
	p0 =	seq.s32 s7, s2  }
0x1e: {  	s7 =	smul.u32 @!p0 $0xF7A, s2;
	p2 =	seq.s32 @!p0 s5, $0x0  }
0x1f: {  	s9 =	smul.u32 $0xF7A, s1;
	s8 =	simm.s32 @!p0 $0x1BF5;
	p2 =	por !p2, p0  }
0x20: {  	[sflag:s8] =	ssyncset.s32 @!p0 $0xFFFFF086;
	s6 =	sadd.s32 @!p0 s3, s7;
	s7 =	simm.s32 @!p0 $0x108  }
0x21: {  	s3 =	sadd.s32 s3, s9;
	s6 =	sadd.s32 @!p0 $0x88, s6;
	s7 =	simm.s32 @p2 $0x1082  }
0x22: {  	[simem:s7], [sflag:s8] =	dma.local @!p0 [hbm:s6], $0xF7A  }
0x23: {  	s9 =	sor.u32 $0xD0000000, s2;
	s6 =	simm.s32 $0x108;
	_ =	swait.ge @!p0 [sflag:s8], $0x0  }
0x24: {  	s3 =	sadd.s32 $0x88, s3;
	s6 =	simm.s32 @!p1 $0x1082;
	[sflag:s4] =	ssyncset.s32 $0xFFFFF086  }
0x25: {  	[simem:s6], [sflag:s4] =	dma.local [hbm:s3], $0xF7A  }
0x26: {  	[smem:$0x3F9E] =	sst s1;
	(tag) =	ssettag s2;
	_ =	strace s9  }
0x27: {  	s1 =	sld [smem:$0x3FAE]  }
0x28: {  	s2 =	sld [smem:$0x3FAF]  }
0x29: {  	s4 =	sld [smem:$0x3FB1]  }
0x2a: {  	p0 =	seq.s32 s5, $0x0;
	s5 =	sld [smem:$0x3FB2]  }
0x2b: {  	s6 =	sld [smem:$0x3FB3]  }
0x2c: {  	s7 =	sld [smem:$0x3FB4]  }
0x2d: {  	s3 =	simm.s32 $0x108;
	s8 =	sld [smem:$0x3FB5]  }
0x2e: {  	s3 =	simm.s32 @!p0 $0x1082;
	s9 =	sld [smem:$0x3FB6]  }
0x2f: {  	lr =	sadd.s32 s0, s3;
	s0 =	sld [smem:$0x3FAD]  }
0x30: {  	s3 =	sld [smem:$0x3FB0]  }
0x31: {  	[smem:$0x3FB9] =	sst s10  }
0x32: {  	s10 =	sld [smem:$0x3FB7];
	_ =	sdelay $0x3  }
0x33: {  	p0 =	seq.s32 s10, $0x1;
	s10 =	sld [smem:$0x3FB9];
	_ =	sdelay $0x3  }
0x34: {  	[smem:$0x3FB9] =	sst s10  }
0x35: {  	s10 =	sld [smem:$0x3FB8];
	_ =	sdelay $0x3  }
0x36: {  	p1 =	seq.s32 s10, $0x1;
	s10 =	sld [smem:$0x3FB9];
	_ =	sdelay $0x3  }
0x37: {  	[smem:$0x3FB9] =	sst s10  }
0x38: {  	s10 =	sld [smem:$0x3FBA]  }
0x39: {  	_ = 	snop;
	(pc) =	sbr.ind lr, $3  }
0x3a: {  	_ = 	snop  }
0x3b: {  	_ = 	snop  }
0x3c: {  	p2 =	seq.s32 s10, $0x1;
	s10 =	sld [smem:$0x3FB9]  }
0x3d: {  	_ =	shalt  }
0x3e: {  	_ =	shalt  }
0x3f: {  	_ =	shalt  }
0x40: {  	_ =	shalt  }
0x41: {  	_ =	shalt  }
0x42: {  	_ =	shalt  }
0x43: {  	_ =	shalt  }
0x44: {  	_ =	shalt  }
0x45: {  	_ =	shalt  }
0x46: {  	_ =	shalt  }
0x47: {  	_ =	shalt  }
0x48: {  	_ =	shalt  }
0x49: {  	_ =	shalt  }
0x4a: {  	_ =	shalt  }
0x4b: {  	_ =	shalt  }
0x4c: {  	_ =	shalt  }
0x4d: {  	_ =	shalt  }
0x4e: {  	_ =	shalt  }
0x4f: {  	_ =	shalt  }
0x50: {  	_ =	shalt  }
0x51: {  	_ =	shalt  }
0x52: {  	_ =	shalt  }
0x53: {  	_ =	shalt  }
0x54: {  	_ =	shalt  }
0x55: {  	_ =	shalt  }
0x56: {  	_ =	shalt  }
0x57: {  	_ =	shalt  }
0x58: {  	_ =	shalt  }
0x59: {  	_ =	shalt  }
0x5a: {  	_ =	shalt  }
0x5b: {  	_ =	shalt  }
0x5c: {  	_ =	shalt  }
0x5d: {  	_ =	shalt  }
0x5e: {  	_ =	shalt  }
0x5f: {  	_ =	shalt  }
0x60: {  	_ =	shalt  }
0x61: {  	_ =	shalt  }
0x62: {  	_ =	shalt  }
0x63: {  	_ =	shalt  }
0x64: {  	_ =	shalt  }
0x65: {  	_ =	shalt  }
0x66: {  	_ =	shalt  }
0x67: {  	_ =	shalt  }
0x68: {  	_ =	shalt  }
0x69: {  	_ =	shalt  }
0x6a: {  	_ =	shalt  }
0x6b: {  	_ =	shalt  }
0x6c: {  	_ =	shalt  }
0x6d: {  	_ =	shalt  }
0x6e: {  	_ =	shalt  }
0x6f: {  	_ =	shalt  }
0x70: {  	_ =	shalt  }
0x71: {  	_ =	shalt  }
0x72: {  	_ =	shalt  }
0x73: {  	_ =	shalt  }
0x74: {  	_ =	shalt  }
0x75: {  	_ =	shalt  }
0x76: {  	_ =	shalt  }
0x77: {  	_ =	shalt  }
0x78: {  	_ =	shalt  }
0x79: {  	_ =	shalt  }
0x7a: {  	_ =	shalt  }
0x7b: {  	_ =	shalt  }
0x7c: {  	_ =	shalt  }
0x7d: {  	_ =	shalt  }
0x7e: {  	_ =	shalt  }
0x7f: {  	_ =	shalt  }
0x80: {  	_ =	shalt  }
0x81: {  	_ =	shalt  }
0x82: {  	_ =	shalt  }
0x83: {  	_ =	shalt  }
0x84: {  	_ =	shalt  }
0x85: {  	_ =	shalt  }
0x86: {  	_ =	shalt  }
0x87: {  	_ =	shalt  }
.Lfunc_end0:
.L_simem_size_0:
called_computation_lowered:
.L_overlay_start_0:
0x88: {  	s2 =	sld [smem:$0x3FD9]  }
0x89: {  	s3 =	sld [smem:$0x3FFE];
	_ =	sdelay $0x1  }
0x8a: {  	s1 =	srdreg.scid  }
0x8b: {  	s0 =	sand.u32 $0x1, s1  }
0x8c: {  	s16 =	sshll.u32 s0, $0xA;
	s2 =	sadd.s32 s3, s2  }
0x8d: {  	s2 =	sadd.s32 s2, s16  }
0x8e: {  	[smem:$0x3FC5] =	sst s2  }
0x8f: {  	_ = 	snop  }
0x90: {  	(tm) =	ssettm $0x1  }
0x91: {  	s17 =	sld [smem:$0x3FFB];
	_ =	sdelay $0x3  }
0x92: {  	_ =	strace s17  }
0x93: {  	s2 =	sld [smem:$0x3FFC];
	_ =	sdelay $0x3  }
0x94: {  	_ =	strace s2  }
0x95: {  	s2 =	sld [smem:$0x3FFD];
	_ =	sdelay $0x3  }
0x96: {  	_ =	strace s2  }
0x97: {  	_ =	strace $0x8FFFFFFF  }
0x98: {  	s18 =	sld [smem:$0x3FDB];
	_ =	sdelay $0x1  }
0x99: {  	s19 =	simm.s32 $_scs_section_size  }
0x9a: {  	s4 =	simm.s32 $_size__tile_overlayer_lowered;
	s5 =	simm.s32 $_tile_overlayer_lowered  }
0x9b: {  	s22 =	simm.s32 $0x1BFF;
	s21 =	sshll.u32 s5, $0x1;
	s2 =	sadd.s32 s19, s18  }
0x9c: {  	s6 =	simm.s32 $0x0;
	s20 =	sshll.u32 s4, $0x1;
	s4 =	sadd.s32 s21, s2  }
0x9d: {  	[timem:s6], [sflag:s22] =	dma.local [hbm:s4], s20  }
0x9e: {  	_ =	swait.ge [sflag:s22], s20  }
0x9f: {  	s3 =	ssub.s32 $0x0, s20;
	[sflag:s22] =	ssyncset.done $0x0  }
0xa0: {  	[sflag:s22] =	ssyncadd.s32 s3;
	_ =	sdelay $0x1  }
0xa1: {  	s23 =	simm.s32 $0x1B8B  }
0xa2: {  	_ =	swait.ge [sflag:s23], $0x1  }
0xa3: {  	[sflag:s23] =	ssyncset.done $0x0  }
0xa4: {  	s25 =	simm.s32 $0x1B8E;
	s24 =	sld [smem:$0x3FFE];
	[sflag:s23] =	ssyncadd.s32 $0xFFFFFFFF  }
0xa5: {  	s26 =	simm.s32 $execute0_lowered;
	[smem:$0x3FD2] =	sst s25  }
0xa6: {  	s4 =	sshll.u32 s26, $0x1;
	_ =	strace $0x80000046;
	[dreg:$0x1] =	wrdreg $0xFFFFFFFF  }
0xa7: {  	s28 =	simm.s32 $_size_execute0_lowered;
	s2 =	sadd.s32 s2, s4;
	[dreg:$0x0] =	wrdreg $0x0  }
0xa8: {  	s4 =	sshll.u32 s28, $0x1;
	[dreg:$0x2] =	wrdreg s2  }
0xa9: {  	[dreg:$0x3] =	wrdreg s4  }
0xaa: {  	[dreg:$0x4] =	wrdreg $0xC0  }
0xab: {  	_ =	task [dreg:s6], $0x5FFFF  }
0xac: {  	[dreg:$0x1] =	wrdreg $0xFFFFFFFF  }
0xad: {  	[dreg:$0x0] =	wrdreg $0x60  }
0xae: {  	[dreg:$0x2] =	wrdreg s24  }
0xaf: {  	[dreg:$0x3] =	wrdreg $0x9  }
0xb0: {  	_ =	task.clear_ibuf [dreg:s6], $0x4FFFF;
	_ =	strace $0x90000046  }
0xb1: {  	s29 =	simm.s32 $0x9;
	_ =	strace $0x80000048  }
0xb2: {  	_ =	swait.ge [sflag:s29], $0x1  }
0xb3: {  	[sflag:s29] =	ssyncadd.s32 $0xFFFFFFFF  }
0xb4: {  	_ =	strace $0x90000048  }
0xb5: {  	_ =	sfence  }
0xb6: {  	s30 =	sld [smem:$0x0];
	_ =	sdelay $0x2  }
0xb7: {  	s31 =	sshll.u32 s1, $0xD;
	s1 =	sshrl.u32 s1, $0x2  }
0xb8: {  	s3 =	sand.u32 $0x4000, s31;
	s1 =	sadd.s32 s1, s30  }
0xb9: {  	s0 =	sor.u32 s3, s0;
	s1 =	sshll.u32 s1, $0x11  }
0xba: {  	s0 =	sor.u32 s1, s0  }
0xbb: {  	s0 =	sadd.s32 $0x8F2B, s0  }
0xbc: {  	[sflag:s0] =	ssyncadd.remote.s32 $0x1  }
0xbd: {  	_ =	sfence.sel $0xFFFF  }
0xbe: {  	[dreg:$0x0] =	wrdreg $0xFFFFFFFF;
	(pc) =	sbr.abs _section_cstart, $3  }
0xbf: {  	[dreg:$0x1] =	wrdreg $0xFFFFFFFF  }
0xc0: {  	_ =	task.clear_ibuf [dreg:s6], $0x2FFFF;
	_ =	strace $0x9FFFFFFF  }
0xc1: {  	(tm) =	ssettm $0x7FFFFFFF  }
tec
execute0_lowered:
.L_overlay_start_1:
0x0: {  	(tag) =	ssettag $0x1  }
0x1: {  	s1 =	srdreg.scid  }
0x2: {  	s0 =	stileid.u32;
	s5 =	rddreg [dreg:$0x0]  }
0x3: {  	s2 =	simm.s32 $0x0;
	s9 =	simm.s32 $0x6;
	s10 =	simm.s32 $0x280  }
0x4: {  	s11 =	simm.s32 $0x3E80;
	s12 =	simm.s32 $0x1;
	s13 =	simm.s32 $0x7A80  }
0x5: {  	s14 =	simm.s32 $0x2;
	s15 =	simm.s32 $0x8480;
	s16 =	simm.s32 $0x3  }
0x6: {  	s17 =	simm.s32 $0x4;
	s4 =	sand.u32 $0x1, s1;
	s3 =	sshll.u32 s0, $0x1  }
0x7: {  	s18 =	simm.s32 $0x0;
	s1 =	rddreg [dreg:$0x1];
	s3 =	sor.u32 s4, s3  }
0x8: {  	[smem:$0x7FF] =	sst s2;
	s6 =	ssub.s32 $0x2, s4;
	s3 =	smul.u32 $0x50, s3  }
0x9: {  	_ =	strace $0x80000047;
	s4 =	sadd.s32 $0x1311000, s5;
	s8 =	sshrl.u32 s6, $0x1  }
0xa: {  	s8 =	ssub.s32 s6, s8;
	s7 =	sadd.s32 s3, s5;
	s5 =	sadd.s32 $0x1000, s5  }
0xb: {  	s6 =	sadd.s32 $0x600, s7;
	s7 =	smax.u32 s8, $0x1;
	s8 =	simm.s32 $0x5  }
.LBB2_1:
0xc: {  	[tilespmem:s2], [sflag:$0x5] =	stream.linear.gather [hbm4b:s6+s2], $0x280, $0x38;
	[tilespmem:$0x8E80] =	vst v63  }
0xd: {  	_ =	swait.ge [sflag:s8], $0x280  }
0xe: {  	[sflag:s8] =	ssyncset.done $0x0  }
0xf: {  	s19 =	simm.s32 $0x0;
	[sflag:s8] =	ssyncadd.s32 $0xFFFFFD80  }
0x10: {  	[tilespmem:s10], [sflag:$0x1] =	stream.indirect.gather [hbm4b:s4+s9], $0xA00, s2, s9, $0xb8;
	[tilespmem:$0x8E80] =	vst v63  }
.LBB2_2:
0x11: {  	s20 =	sshllo.u32 s19, $0x1  }
0x12: {  	s21 =	sshll.u32 s20, $0x3  }
0x13: {  	p0 =	seq.s32 s19, $0x0;
	s21 =	sand.u32 $0x3FFFFFF8, s21  }
0x14: {  	[tilespmem:s11], [sflag:$0x2] =	stream.indirect.gather [hbm4b:s4+s9], $0xA00, s21, s9, $0xb8;
	[tilespmem:$0x8E80] =	vst v63  }
0x15: {  	s21 =	simm.s32 @!p0 $0x3  }
0x16: {  	_ =	swait.ge @!p0 [sflag:s21], $0xA00  }
0x17: {  	[sflag:s21] =	ssyncset.done @!p0 $0x0  }
0x18: {  	[sflag:s21] =	ssyncadd.s32 @!p0 $0xFFFFF600  }
0x19: {  	_ =	swait.ge [sflag:s12], $0x3C00  }
0x1a: {  	[sflag:s12] =	ssyncset.done $0x0  }
0x1b: {  	s21 =	simm.s32 $0x0;
	[sflag:s12] =	ssyncadd.s32 $0xFFFFC400  }
0x1c: {  	v3 =	vld [tilespmem:s21+$0x280]  }
0x1d: {  	v4 =	vld [tilespmem:s21+$0xC80]  }
0x1e: {  	v5 =	vld [tilespmem:s21+$0x1680]  }
0x1f: {  	v6 =	vld [tilespmem:s21+$0x2080]  }
0x20: {  	v7 =	vld [tilespmem:s21+$0x2A80]  }
0x21: {  	s22 =	simm.s32 $0x10;
	v8 =	vld [tilespmem:s21+$0x3480]  }
0x22: {  	v0 =	vld [tilespmem:s22+$0x280]  }
0x23: {  	v2 =	vld [tilespmem:s22+$0xC80]  }
0x24: {  	v1 =	vld [tilespmem:s22+$0x1680];
	v9 =	vadd.f32 v4, v3;
	v6 =	vadd.f32 v6, v5  }
0x25: {  	v4 =	vld [tilespmem:s22+$0x2080]  }
0x26: {  	s23 =	sshll.u32 s19, $0x1;
	s24 =	simm.s32 $0x80;
	v3 =	vld [tilespmem:s22+$0x2A80];
	v5 =	vadd.f32 v8, v7;
	v6 =	vadd.f32 v6, v9  }
.LBB2_3:
0x27: {  	s25 =	sshra.s32 s24, $0x2;
	v7 =	vld [tilespmem:s22+$0x3480];
	v8 =	vmov v0;
	p0 =	sne.s32 s24, $0x27C0  }
.Ltmp0:
0x28: {  	v0 =	vld [tilespmem:s25+$0x280];
	v5 =	vadd.f32 v5, v6;
	v6 =	vmov v2;
	(pc) =	sbr.rel @p0 .LBB2_3-.Ltmp0, $4  }
0x29: {  	v2 =	vld [tilespmem:s25+$0xC80]  }
0x2a: {  	s24 =	sadd.s32 $0x40, s24;
	v6 =	vadd.f32 v6, v8;
	v8 =	vadd.f32 v4, v1;
	v1 =	vld [tilespmem:s25+$0x1680];
	[tilespmem:s21+$0x7A80] =	vst v5;
	s21 =	smov.u32 s22  }
0x2b: {  	s22 =	smov.u32 s25;
	v4 =	vld [tilespmem:s25+$0x2080]  }
0x2c: {  	v5 =	vadd.f32 v7, v3;
	v3 =	vld [tilespmem:s22+$0x2A80];
	v6 =	vadd.f32 v8, v6  }
0x2d: {  	v7 =	vld [tilespmem:s22+$0x3480];
	_ =	sdelay $0x2  }
0x2e: {  	v0 =	vadd.f32 v2, v0;
	v1 =	vadd.f32 v4, v1;
	_ =	sdelay $0x1  }
0x2f: {  	v2 =	vadd.f32 v7, v3;
	v0 =	vadd.f32 v1, v0  }
0x30: {  	s23 =	sadd.s32 s3, s23;
	v1 =	vadd.f32 v5, v6  }
0x31: {  	p0 =	seq.s32 s19, $0x27;
	s23 =	smul.u32 $0x140, s23;
	v0 =	vadd.f32 v2, v0  }
0x32: {  	[tilespmem:s21+$0x7A80] =	vst v1;
	s21 =	sshll.u32 @!p0 s19, $0x4  }
0x33: {  	p1 =	seq.s32 @!p0 s19, $0x0;
	s31 =	sadd.s32 s5, s23;
	s21 =	sand.u32 @!p0 $0x3FFFFFF0, s21;
	[tilespmem:s22+$0x7A80] =	vst v0  }
0x34: {  	[hbm4b:s31+s2] =	stream.linear.scatter [tilespmem:s13], [sflag:$0x3], $0xA00, $0x38;
	[tilespmem:$0x8E80] =	vst v63  }
0x35: {  	s23 =	simm.s32 @!p0 $0x280;
	s21 =	sadd.s32 @!p0 $0x10, s21;
	s22 =	simm.s32 @!p0 $0x6  }
0x36: {  	[tilespmem:s23], [sflag:$0x1] =	stream.indirect.gather @!p0 [hbm4b:s4+s22], $0xA00, s21, s22, $0xb8;
	[tilespmem:$0x8E80] =	vst v63  }
0x37: {  	p0 =	por p0, !p1  }
0x38: {  	_ =	swait.ge @p0 [sflag:s17], $0xA00  }
0x39: {  	[sflag:s17] =	ssyncset.done @p0 $0x0  }
0x3a: {  	[sflag:s17] =	ssyncadd.s32 @p0 $0xFFFFF600  }
0x3b: {  	_ =	swait.ge [sflag:s14], $0x3C00  }
0x3c: {  	[sflag:s14] =	ssyncset.done $0x0  }
0x3d: {  	s21 =	simm.s32 $0x0;
	[sflag:s14] =	ssyncadd.s32 $0xFFFFC400  }
0x3e: {  	v3 =	vld [tilespmem:s21+$0x3E80]  }
0x3f: {  	v4 =	vld [tilespmem:s21+$0x4880]  }
0x40: {  	v5 =	vld [tilespmem:s21+$0x5280]  }
0x41: {  	v6 =	vld [tilespmem:s21+$0x5C80]  }
0x42: {  	v7 =	vld [tilespmem:s21+$0x6680]  }
0x43: {  	s22 =	simm.s32 $0x10;
	v8 =	vld [tilespmem:s21+$0x7080]  }
0x44: {  	v0 =	vld [tilespmem:s22+$0x3E80]  }
0x45: {  	v2 =	vld [tilespmem:s22+$0x4880]  }
0x46: {  	v1 =	vld [tilespmem:s22+$0x5280];
	v9 =	vadd.f32 v4, v3;
	v6 =	vadd.f32 v6, v5  }
0x47: {  	v4 =	vld [tilespmem:s22+$0x5C80]  }
0x48: {  	s23 =	simm.s32 $0x80;
	v3 =	vld [tilespmem:s22+$0x6680];
	v5 =	vadd.f32 v8, v7;
	v6 =	vadd.f32 v6, v9  }
.LBB2_5:
0x49: {  	s24 =	sshra.s32 s23, $0x2;
	v7 =	vld [tilespmem:s22+$0x7080];
	v8 =	vmov v0;
	p0 =	sne.s32 s23, $0x27C0  }
.Ltmp1:
0x4a: {  	v0 =	vld [tilespmem:s24+$0x3E80];
	v5 =	vadd.f32 v5, v6;
	v6 =	vmov v2;
	(pc) =	sbr.rel @p0 .LBB2_5-.Ltmp1, $4  }
0x4b: {  	v2 =	vld [tilespmem:s24+$0x4880]  }
0x4c: {  	s23 =	sadd.s32 $0x40, s23;
	v6 =	vadd.f32 v6, v8;
	v8 =	vadd.f32 v4, v1;
	v1 =	vld [tilespmem:s24+$0x5280];
	[tilespmem:s21+$0x8480] =	vst v5;
	s21 =	smov.u32 s22  }
0x4d: {  	s22 =	smov.u32 s24;
	v4 =	vld [tilespmem:s24+$0x5C80]  }
0x4e: {  	v5 =	vadd.f32 v7, v3;
	v3 =	vld [tilespmem:s22+$0x6680];
	v6 =	vadd.f32 v8, v6  }
0x4f: {  	v7 =	vld [tilespmem:s22+$0x7080];
	_ =	sdelay $0x2  }
0x50: {  	v0 =	vadd.f32 v2, v0;
	v1 =	vadd.f32 v4, v1  }
0x51: {  	s19 =	sadd.s32 $0x1, s19  }
0x52: {  	p0 =	sne.s32 s19, $0x28;
	v62 =	vadd.f32 v7, v3;
	v0 =	vadd.f32 v1, v0  }
.Ltmp2:
0x53: {  	s20 =	sadd.s32 s3, s20;
	v63 =	vadd.f32 v5, v6;
	(pc) =	sbr.rel @p0 .LBB2_2-.Ltmp2, $4  }
0x54: {  	s20 =	smul.u32 $0x140, s20;
	v0 =	vadd.f32 v62, v0  }
0x55: {  	[tilespmem:s21+$0x8480] =	vst v63  }
0x56: {  	s20 =	sadd.s32 s5, s20;
	[tilespmem:s22+$0x8480] =	vst v0  }
0x57: {  	[hbm4b:s20+s2] =	stream.linear.scatter [tilespmem:s15], [sflag:$0x4], $0xA00, $0x38;
	[tilespmem:$0x8E80] =	vst v63  }
0x58: {  	s18 =	sadd.s32 $0x1, s18  }
0x59: {  	_ =	swait.ge [sflag:s16], $0xA00;
	p0 =	sne.s32 s18, s7  }
.Ltmp3:
0x5a: {  	[sflag:s16] =	ssyncset.done $0x0;
	(pc) =	sbr.rel @p0 .LBB2_1-.Ltmp3, $4  }
0x5b: {  	[sflag:s16] =	ssyncadd.s32 $0xFFFFF600  }
0x5c: {  	_ =	swait.ge [sflag:s17], $0xA00  }
0x5d: {  	[sflag:s17] =	ssyncset.done $0x0  }
0x5e: {  	[sflag:s17] =	ssyncadd.s32 $0xFFFFF600  }
0x5f: {  	_ =	sfence.sel $0x180000  }
0x60: {  	[bflag:$0x0] =	sbarrier.arrive $0xFFFF  }
0x61: {  	p0 =	sne.s32 s0, $0x0;
	_ =	strace $0x90000047  }
0x62: {  	s0 =	sadd.s32 @!p0 $0x100000, s1;
	[bflag:$0x2] =	sbarrier.arrive $0xFFFF  }
0x63: {  	[sflag:s0] =	ssyncadd.tile.s32 @!p0 $0x1;
	_ =	shalt  }
.Lfunc_end2:
_tile_overlayer_lowered:
.L_overlay_start_2:
0x64: {  	(tag) =	ssettag $0x2  }
0x65: {  	s0 =	rddreg [dreg:$0x0];
	s2 =	stileid.u32  }
0x66: {  	s1 =	rddreg [dreg:$0x1];
	p0 =	sne.s32 s2, $0x0  }
0x67: {  	s3 =	rddreg [dreg:$0x2];
	[bflag:$0x3] =	sbarrier.arrive $0xFFFF;
	s2 =	simm.s32 @!p0 $0x1C05  }
0x68: {  	[timem:s3], [sflag:s2] =	dma.local @!p0 [hbm:s0], s1  }
0x69: {  	s0 =	simm.s32 @!p0 $0x5  }
0x6a: {  	_ =	swait.ge @!p0 [sflag:s0], s1  }
0x6b: {  	s1 =	ssub.s32 @!p0 $0x0, s1;
	[sflag:s0] =	ssyncset.done @!p0 $0x0  }
0x6c: {  	[sflag:s0] =	ssyncadd.s32 @!p0 s1  }
0x6d: {  	[bflag:$0x3] =	sbarrier.arrive $0xFFFF  }
0x6e: {  	_ =	shalt  }

</sc_bundles>
